<compile_context>
chip_gen: v7x
topology: tpu7x:2x2x1
jax: 0.10.2.dev20260603
libtpu: 0.0.44.dev20260713+nightly
codegen_flags: <defaults>
</compile_context>

<pallas_src>
import functools
import math

import jax
import jax.numpy as jnp
from jax import lax
from jax.experimental import pallas as pl
from jax.experimental.pallas import tpu as pltpu
from jax.experimental.pallas import tpu_sc as plsc

N_CUTS = 500000
N_GENES = 5000
N_LATENT = 10
NBINS = 128
N_TOTAL_CELLS = 10000

NC = 2
NS = 16
NW = NC * NS
CHUNK = 128
CP = 50
CQ = 51
CR = 43
EP = CP * CHUNK
EQ = CQ * CHUNK
ER = CR * CHUNK
BPW0 = EP + EQ + ER
BPW1 = EP + EQ
BPW_MAX = BPW0
NP = NS * (BPW0 + BPW1)
NP_ALLOC = NP + (BPW_MAX - BPW1)

GB = 1000
N_GB = N_GENES // GB


def _table_body(base_ref, lw_ref, logp_ref, sq_ref):
    base = base_ref[...]

    @pl.when(pl.program_id(0) == 0)
    def _init():
        sq_ref[0, 0] = 0.0

    sq = jnp.zeros((), jnp.float32)
    for r in range(N_LATENT):
        lwr = lw_ref[r]
        logits = base + lwr
        m = jnp.max(logits, axis=1, keepdims=True)
        lse = jnp.log(jnp.sum(jnp.exp(logits - m), axis=1, keepdims=True)) + m
        logp_ref[r] = logits - lse
        sq = sq + jnp.sum(lwr * lwr)
    sq_ref[0, 0] += sq


def _build_table(baseline, logit_weight_t):
    return pl.pallas_call(
        _table_body,
        grid=(N_GB,),
        in_specs=[
            pl.BlockSpec((GB, NBINS), lambda i: (i, 0)),
            pl.BlockSpec((N_LATENT, GB, NBINS), lambda i: (0, i, 0)),
        ],
        out_specs=[
            pl.BlockSpec((N_LATENT, GB, NBINS), lambda i: (0, i, 0)),
            pl.BlockSpec((1, 1), lambda i: (0, 0), memory_space=pltpu.SMEM),
        ],
        out_shape=[
            jax.ShapeDtypeStruct((N_LATENT, N_GENES, NBINS), jnp.float32),
            jax.ShapeDtypeStruct((1, 1), jnp.float32),
        ],
    )(baseline, logit_weight_t)


_MESH = plsc.VectorSubcoreMesh(core_axis_name="c", subcore_axis_name="s")


@functools.partial(
    pl.kernel,
    mesh=_MESH,
    out_type=jax.ShapeDtypeStruct((NW, 16), jnp.float32),
    scratch_types=[
        pltpu.VMEM((BPW_MAX,), jnp.float32),
        pltpu.VMEM((BPW_MAX,), jnp.int32),
        pltpu.VMEM((EP,), jnp.int32),
        pltpu.VMEM((EQ,), jnp.int32),
        pltpu.VMEM((ER,), jnp.int32),
        pltpu.VMEM((EP,), jnp.float32),
        pltpu.VMEM((EQ,), jnp.float32),
        pltpu.VMEM((ER,), jnp.float32),
        pltpu.VMEM((16,), jnp.float32),
        pltpu.SemaphoreType.DMA,
    ],
)
def _cut_kernel(coords_hbm, rg_hbm, table_hbm, out_hbm,
                coords_v, rg_v, idx_p, idx_q, idx_r,
                vals_p, vals_q, vals_r, acc_v, sem):
    c = lax.axis_index("c")
    s = lax.axis_index("s")
    wid = s * NC + c
    base = pl.multiple_of(
        jnp.where(c == 0, s * BPW0, NS * BPW0 + s * BPW1), 8)

    cp0 = pltpu.async_copy(coords_hbm.at[pl.ds(base, BPW_MAX)], coords_v, sem)
    cp1 = pltpu.async_copy(rg_hbm.at[pl.ds(base, BPW_MAX)], rg_v, sem)
    cp0.wait()
    cp1.wait()

    def make_idx_body(dst, off):
        def idx_body(j, carry):
            for k in range(CHUNK // 16):
                o = j * CHUNK + k * 16
                cc = coords_v[pl.ds(off + o, 16)]
                b = jnp.clip((cc * float(NBINS)).astype(jnp.int32),
                             0, NBINS - 1)
                dst[pl.ds(o, 16)] = rg_v[pl.ds(off + o, 16)] + b
            return carry
        return idx_body

    def make_acc_body(src):
        def acc_body(j, acc):
            for k in range(CHUNK // 16):
                o = j * CHUNK + k * 16
                acc = acc + src[pl.ds(o, 16)]
            return acc
        return acc_body

    lax.fori_loop(0, CP, make_idx_body(idx_p, 0), 0)
    gp = pltpu.async_copy(table_hbm.at[idx_p], vals_p, sem)

    lax.fori_loop(0, CQ, make_idx_body(idx_q, EP), 0)
    gq = pltpu.async_copy(table_hbm.at[idx_q], vals_q, sem)

    @pl.when(c == 0)
    def _idx_gather_r():
        lax.fori_loop(0, CR, make_idx_body(idx_r, EP + EQ), 0)
        pltpu.async_copy(table_hbm.at[idx_r], vals_r, sem)

    gp.wait()
    acc = lax.fori_loop(0, CP, make_acc_body(vals_p),
                        jnp.zeros((16,), jnp.float32))
    gq.wait()
    acc_v[...] = lax.fori_loop(0, CQ, make_acc_body(vals_q), acc)

    @pl.when(c == 0)
    def _drain_acc_r():
        pltpu.make_async_copy(table_hbm.at[pl.ds(0, ER)], vals_r, sem).wait()
        acc_v[...] = acc_v[...] + lax.fori_loop(
            0, CR, make_acc_body(vals_r), jnp.zeros((16,), jnp.float32))

    pltpu.sync_copy(acc_v, out_hbm.at[wid])


def kernel(cut_coordinates, cut_reflatent_idx, cut_local_gene_ix,
           cut_local_cell_ix, cut_local_cellxgene_ix, cells_oi, n_cells,
           logit_weight, baseline, reflatent):
    logp, sq = _build_table(
        baseline.astype(jnp.float32),
        jnp.transpose(logit_weight.astype(jnp.float32), (1, 0, 2)),
    )
    table = logp.reshape(-1)

    pad = NP_ALLOC - N_CUTS
    coords_p = jnp.pad(cut_coordinates.astype(jnp.float32), (0, pad))
    rg = (cut_reflatent_idx.astype(jnp.int32) * (N_GENES * NBINS)
          + cut_local_gene_ix.astype(jnp.int32) * NBINS)
    rg_p = jnp.pad(rg, (0, pad))

    partials = _cut_kernel(coords_p, rg_p, table)

    cut_sum = jnp.sum(partials) - (NP - N_CUTS) * table[0]
    likelihood = (cut_sum + N_CUTS * math.log(NBINS)) * N_TOTAL_CELLS / n_cells
    kl = (-0.5 * sq[0, 0]
          - (N_GENES * N_LATENT * NBINS) * (0.5 * math.log(2.0 * math.pi)))
    elbo = -likelihood - kl
    return (elbo / N_TOTAL_CELLS).astype(jnp.float32)

# --- scband reference (transcript-rebuilt; emitter-appended) ---
"""Pipeline reference for scband-decoding-17660905521232 (READ-ONLY COPY).

The authoritative reference and input builder live on the scoring server;
editing this copy changes nothing except your own understanding.
"""

import jax, jax.numpy as jnp
import numpy as np

N_CUTS = 500000
N_GENES = 5000
N_LATENT = 10
NBINS = 128
N_TOTAL_CELLS = 10000
N_CELLS_BATCH = 1000


def setup_inputs(seed: int = 0):
    key = jax.random.key(seed)
    k1, k2, k3, k4, k5 = jax.random.split(key, 5)
    cut_coordinates = jax.random.uniform(k1, (N_CUTS,), dtype=jnp.float32)
    cut_reflatent_idx = jax.random.randint(k2, (N_CUTS,), 0, N_LATENT)
    cut_local_gene_ix = jax.random.randint(k3, (N_CUTS,), 0, N_GENES)
    cut_local_cell_ix = jax.random.randint(k4, (N_CUTS,), 0, N_CELLS_BATCH)
    cut_local_cellxgene_ix = cut_local_cell_ix * N_GENES + cut_local_gene_ix
    cells_oi = jnp.arange(N_CELLS_BATCH)
    # learned params: decoder logit_weight (zero-init per torch code when n_layers<=1)
    logit_weight = jnp.zeros((N_GENES, N_LATENT, NBINS), dtype=jnp.float32)
    # per-gene baseline unnormalized spline heights of the quadratic spline stack
    baseline = jax.random.normal(k5, (N_GENES, NBINS), dtype=jnp.float32) * 0.1
    # reflatent buffer: one-hot cluster encodings
    reflatent = jnp.eye(N_LATENT, dtype=jnp.float32)
    return {
        "cut_coordinates": cut_coordinates,
        "cut_reflatent_idx": cut_reflatent_idx,
        "cut_local_gene_ix": cut_local_gene_ix,
        "cut_local_cell_ix": cut_local_cell_ix,
        "cut_local_cellxgene_ix": cut_local_cellxgene_ix,
        "cells_oi": cells_oi,
        "n_cells": N_CELLS_BATCH,
        "logit_weight": logit_weight,
        "baseline": baseline,
        "reflatent": reflatent,
    }


def reference(cut_coordinates, cut_reflatent_idx, cut_local_gene_ix, cut_local_cell_ix,
              cut_local_cellxgene_ix, cells_oi, n_cells, logit_weight, baseline, reflatent):
    # Decoder with n_layers=0: nn is identity, then per-gene bilinear map
    # logit = reflatent[r,None,None,:] @ logit_weight[g,:,:] -> (R, G, NBINS)
    mixture_delta = jnp.einsum('rl,glk->rgk', reflatent, logit_weight)
    flat_delta = mixture_delta.reshape((-1, NBINS))
    # cut_local_reflatentxgene_ix = cut_reflatent_idx * n_genes + cut_local_gene_ix
    cut_local_reflatentxgene_ix = cut_reflatent_idx * N_GENES + cut_local_gene_ix
    # per-cut gather of the 128-dim delta row (SparseCore-style gather)
    delta = jnp.take(flat_delta, cut_local_reflatentxgene_ix, axis=0)
    logits = jnp.take(baseline, cut_local_gene_ix, axis=0) + delta
    # quadratic spline stack log_prob: locate bin of within-gene coordinate,
    # normalized piecewise density over 128 equal-width bins
    bin_ix = jnp.clip((cut_coordinates * NBINS).astype(jnp.int32), 0, NBINS - 1)
    logp = jax.nn.log_softmax(logits, axis=-1)
    likelihood_mixture = jnp.take_along_axis(logp, bin_ix[:, None], axis=1)[:, 0] + jnp.log(jnp.float32(NBINS))
    likelihood = likelihood_mixture.sum() * N_TOTAL_CELLS / n_cells
    # Normal(0, exp(mixture_delta_p_scale)=1) prior log-prob over logit_weight
    scale = jnp.exp(jnp.float32(0.0))
    mixture_delta_kl = (-(logit_weight ** 2) / (2.0 * scale ** 2) - jnp.log(scale) - 0.5 * jnp.log(2.0 * jnp.pi)).sum()
    elbo = -likelihood - mixture_delta_kl
    return elbo / N_TOTAL_CELLS

if __name__ == "__main__":
    import jax
    _d = setup_inputs()
    print(jax.jit(kernel)(*tuple(_d.values())))

</pallas_src>

<mosaic_0001>
#map = affine_map<(d0, d1) -> (0)>
#map1 = affine_map<(d0, d1) -> (0, 0)>
module attributes {stable_mosaic.version = 14 : i64} {
  func.func @_cut_kernel(%arg0: i32, %arg1: i32, %arg2: memref<507264xf32, #tpu.memory_space<hbm>>, %arg3: memref<507264xi32, #tpu.memory_space<hbm>>, %arg4: memref<6400000xf32, #tpu.memory_space<hbm>>, %arg5: memref<32x16xf32, #tpu.memory_space<hbm>>, %arg6: memref<18432xf32, #tpu.memory_space<vmem>>, %arg7: memref<18432xi32, #tpu.memory_space<vmem>>, %arg8: memref<6400xi32, #tpu.memory_space<vmem>>, %arg9: memref<6528xi32, #tpu.memory_space<vmem>>, %arg10: memref<5504xi32, #tpu.memory_space<vmem>>, %arg11: memref<6400xf32, #tpu.memory_space<vmem>>, %arg12: memref<6528xf32, #tpu.memory_space<vmem>>, %arg13: memref<5504xf32, #tpu.memory_space<vmem>>, %arg14: memref<16xf32, #tpu.memory_space<vmem>>, %arg15: memref<!tpu.dma_semaphore, #tpu.memory_space<semaphore_mem>>) attributes {dimension_semantics = [#tpu.dimension_semantics<core_parallel>, #tpu.dimension_semantics<subcore_parallel>], iteration_bounds = array<i64: 2, 16>, scalar_prefetch = 0 : i64, scratch_operands = 10 : i64, tpu.core_type = #tpu.core_type<sc_vector_subcore>, window_params = [{transform_indices = #map}, {transform_indices = #map}, {transform_indices = #map}, {transform_indices = #map1}]} {
    %mul3A = arith.constant 2 : i32
    %mul3A_0 = arith.muli %arg1, %mul3A : i32
    %add3A = arith.addi %mul3A_0, %arg0 : i32
    %eq3A = arith.constant 0 : i32
    %eq3A_1 = arith.cmpi eq, %arg0, %eq3A : i32
    %mul3A_2 = arith.constant 18432 : i32
    %mul3A_3 = arith.muli %arg1, %mul3A_2 : i32
    %mul3A_4 = arith.constant 12928 : i32
    %mul3A_5 = arith.muli %arg1, %mul3A_4 : i32
    %add3A_6 = arith.constant 294912 : i32
    %add3A_7 = arith.addi %add3A_6, %mul3A_5 : i32
    %select_n3A = arith.select %eq3A_1, %mul3A_3, %add3A_7 : i32
    %multiple_of3A = tpu.assume_multiple %select_n3A, 8 : i32
    %dma_start3A = tpu.memref_slice %arg2[%multiple_of3A] : memref<507264xf32, #tpu.memory_space<hbm>> -> memref<18432xf32, #tpu.memory_space<hbm>>
    %dma_start3A_8 = tpu.memref_slice %arg2[%multiple_of3A] : memref<507264xf32, #tpu.memory_space<hbm>> -> memref<18432xf32, #tpu.memory_space<hbm>>
    tpu.enqueue_dma source(%dma_start3A_8 : memref<18432xf32, #tpu.memory_space<hbm>>) target(%arg6 : memref<18432xf32, #tpu.memory_space<vmem>>) target_semaphore(%arg15 : memref<!tpu.dma_semaphore, #tpu.memory_space<semaphore_mem>>)
    %dma_start3A_9 = tpu.memref_slice %arg3[%multiple_of3A] : memref<507264xi32, #tpu.memory_space<hbm>> -> memref<18432xi32, #tpu.memory_space<hbm>>
    %dma_start3A_10 = tpu.memref_slice %arg3[%multiple_of3A] : memref<507264xi32, #tpu.memory_space<hbm>> -> memref<18432xi32, #tpu.memory_space<hbm>>
    tpu.enqueue_dma source(%dma_start3A_10 : memref<18432xi32, #tpu.memory_space<hbm>>) target(%arg7 : memref<18432xi32, #tpu.memory_space<vmem>>) target_semaphore(%arg15 : memref<!tpu.dma_semaphore, #tpu.memory_space<semaphore_mem>>)
    %dma_wait3A = tpu.memref_slice %arg2[%multiple_of3A] : memref<507264xf32, #tpu.memory_space<hbm>> -> memref<18432xf32, #tpu.memory_space<hbm>>
    %dma_wait3A_11 = tpu.memref_slice %arg2[%multiple_of3A] : memref<507264xf32, #tpu.memory_space<hbm>> -> memref<18432xf32, #tpu.memory_space<hbm>>
    tpu.wait_dma2 semaphore(%arg15 : memref<!tpu.dma_semaphore, #tpu.memory_space<semaphore_mem>>) src(%dma_wait3A_11 : memref<18432xf32, #tpu.memory_space<hbm>>) dst(%arg6 : memref<18432xf32, #tpu.memory_space<vmem>>)
    %dma_wait3A_12 = tpu.memref_slice %arg3[%multiple_of3A] : memref<507264xi32, #tpu.memory_space<hbm>> -> memref<18432xi32, #tpu.memory_space<hbm>>
    %dma_wait3A_13 = tpu.memref_slice %arg3[%multiple_of3A] : memref<507264xi32, #tpu.memory_space<hbm>> -> memref<18432xi32, #tpu.memory_space<hbm>>
    tpu.wait_dma2 semaphore(%arg15 : memref<!tpu.dma_semaphore, #tpu.memory_space<semaphore_mem>>) src(%dma_wait3A_13 : memref<18432xi32, #tpu.memory_space<hbm>>) dst(%arg7 : memref<18432xi32, #tpu.memory_space<vmem>>)
    %scan3A = arith.constant 0 : i32
    %scan3A_14 = arith.constant 0 : i32
    %scan3A_15 = arith.constant 50 : i32
    %scan3A_16 = arith.addi %scan3A_14, %scan3A_15 : i32
    %scan3A_17 = arith.constant 1 : i32
    scf.for %scan3A_57 = %scan3A_14 to %scan3A_16 step %scan3A_17  : i32 {
      %mul3A_58 = arith.constant 128 : i32
      %mul3A_59 = arith.muli %scan3A_57, %mul3A_58 : i32
      %add3A_60 = arith.constant 0 : i32
      %add3A_61 = arith.addi %mul3A_59, %add3A_60 : i32
      %add3A_62 = arith.constant 0 : i32
      %add3A_63 = arith.addi %add3A_62, %add3A_61 : i32
      %get3A = arith.index_cast %add3A_63 : i32 to index
      %get3A_64 = tpu.vector_load %arg6[%get3A] {strides = array<i32>} : memref<18432xf32, #tpu.memory_space<vmem>>, vector<16xf32>,
      %get3A_65 = vector.shape_cast %get3A_64 : vector<16xf32> to vector<16xf32>
      %mul3A_66 = arith.constant 1.280000e+02 : f32
      %mul3A_67 = vector.broadcast %mul3A_66 : f32 to vector<16xf32>
      %mul3A_68 = arith.mulf %get3A_65, %mul3A_67 : vector<16xf32>
      %convert_element_type3A_69 = arith.fptosi %mul3A_68 : vector<16xf32> to vector<16xi32>
      %jit3A = arith.constant 0 : i32
      %jit3A_70 = arith.constant 127 : i32
      %max3A = vector.broadcast %jit3A : i32 to vector<16xi32>
      %max3A_71 = arith.maxsi %max3A, %convert_element_type3A_69 : vector<16xi32>
      %min3A = vector.broadcast %jit3A_70 : i32 to vector<16xi32>
      %min3A_72 = arith.minsi %min3A, %max3A_71 : vector<16xi32>
      %add3A_73 = arith.constant 0 : i32
      %add3A_74 = arith.addi %add3A_73, %add3A_61 : i32
      %get3A_75 = arith.index_cast %add3A_74 : i32 to index
      %get3A_76 = tpu.vector_load %arg7[%get3A_75] {strides = array<i32>} : memref<18432xi32, #tpu.memory_space<vmem>>, vector<16xi32>,
      %get3A_77 = vector.shape_cast %get3A_76 : vector<16xi32> to vector<16xi32>
      %add3A_78 = arith.addi %get3A_77, %min3A_72 : vector<16xi32>
      %swap3A_79 = arith.index_cast %add3A_61 : i32 to index
      %swap3A_80 = tpu.vector_load %arg8[%swap3A_79] {strides = array<i32>} : memref<6400xi32, #tpu.memory_space<vmem>>, vector<16xi32>,
      %swap3A_81 = vector.shape_cast %swap3A_80 : vector<16xi32> to vector<16xi32>
      %swap3A_82 = vector.shape_cast %add3A_78 : vector<16xi32> to vector<16xi32>
      tpu.vector_store %arg8[%swap3A_79], %swap3A_82 {strides = array<i32>} : memref<6400xi32, #tpu.memory_space<vmem>>, vector<16xi32>,
      %mul3A_83 = arith.constant 128 : i32
      %mul3A_84 = arith.muli %scan3A_57, %mul3A_83 : i32
      %add3A_85 = arith.constant 16 : i32
      %add3A_86 = arith.addi %mul3A_84, %add3A_85 : i32
      %add3A_87 = arith.constant 0 : i32
      %add3A_88 = arith.addi %add3A_87, %add3A_86 : i32
      %get3A_89 = arith.index_cast %add3A_88 : i32 to index
      %get3A_90 = tpu.vector_load %arg6[%get3A_89] {strides = array<i32>} : memref<18432xf32, #tpu.memory_space<vmem>>, vector<16xf32>,
      %get3A_91 = vector.shape_cast %get3A_90 : vector<16xf32> to vector<16xf32>
      %mul3A_92 = arith.constant 1.280000e+02 : f32
      %mul3A_93 = vector.broadcast %mul3A_92 : f32 to vector<16xf32>
      %mul3A_94 = arith.mulf %get3A_91, %mul3A_93 : vector<16xf32>
      %convert_element_type3A_95 = arith.fptosi %mul3A_94 : vector<16xf32> to vector<16xi32>
      %jit3A_96 = arith.constant 0 : i32
      %jit3A_97 = arith.constant 127 : i32
      %max3A_98 = vector.broadcast %jit3A_96 : i32 to vector<16xi32>
      %max3A_99 = arith.maxsi %max3A_98, %convert_element_type3A_95 : vector<16xi32>
      %min3A_100 = vector.broadcast %jit3A_97 : i32 to vector<16xi32>
      %min3A_101 = arith.minsi %min3A_100, %max3A_99 : vector<16xi32>
      %add3A_102 = arith.constant 0 : i32
      %add3A_103 = arith.addi %add3A_102, %add3A_86 : i32
      %get3A_104 = arith.index_cast %add3A_103 : i32 to index
      %get3A_105 = tpu.vector_load %arg7[%get3A_104] {strides = array<i32>} : memref<18432xi32, #tpu.memory_space<vmem>>, vector<16xi32>,
      %get3A_106 = vector.shape_cast %get3A_105 : vector<16xi32> to vector<16xi32>
      %add3A_107 = arith.addi %get3A_106, %min3A_101 : vector<16xi32>
      %swap3A_108 = arith.index_cast %add3A_86 : i32 to index
      %swap3A_109 = tpu.vector_load %arg8[%swap3A_108] {strides = array<i32>} : memref<6400xi32, #tpu.memory_space<vmem>>, vector<16xi32>,
      %swap3A_110 = vector.shape_cast %swap3A_109 : vector<16xi32> to vector<16xi32>
      %swap3A_111 = vector.shape_cast %add3A_107 : vector<16xi32> to vector<16xi32>
      tpu.vector_store %arg8[%swap3A_108], %swap3A_111 {strides = array<i32>} : memref<6400xi32, #tpu.memory_space<vmem>>, vector<16xi32>,
      %mul3A_112 = arith.constant 128 : i32
      %mul3A_113 = arith.muli %scan3A_57, %mul3A_112 : i32
      %add3A_114 = arith.constant 32 : i32
      %add3A_115 = arith.addi %mul3A_113, %add3A_114 : i32
      %add3A_116 = arith.constant 0 : i32
      %add3A_117 = arith.addi %add3A_116, %add3A_115 : i32
      %get3A_118 = arith.index_cast %add3A_117 : i32 to index
      %get3A_119 = tpu.vector_load %arg6[%get3A_118] {strides = array<i32>} : memref<18432xf32, #tpu.memory_space<vmem>>, vector<16xf32>,
      %get3A_120 = vector.shape_cast %get3A_119 : vector<16xf32> to vector<16xf32>
      %mul3A_121 = arith.constant 1.280000e+02 : f32
      %mul3A_122 = vector.broadcast %mul3A_121 : f32 to vector<16xf32>
      %mul3A_123 = arith.mulf %get3A_120, %mul3A_122 : vector<16xf32>
      %convert_element_type3A_124 = arith.fptosi %mul3A_123 : vector<16xf32> to vector<16xi32>
      %jit3A_125 = arith.constant 0 : i32
      %jit3A_126 = arith.constant 127 : i32
      %max3A_127 = vector.broadcast %jit3A_125 : i32 to vector<16xi32>
      %max3A_128 = arith.maxsi %max3A_127, %convert_element_type3A_124 : vector<16xi32>
      %min3A_129 = vector.broadcast %jit3A_126 : i32 to vector<16xi32>
      %min3A_130 = arith.minsi %min3A_129, %max3A_128 : vector<16xi32>
      %add3A_131 = arith.constant 0 : i32
      %add3A_132 = arith.addi %add3A_131, %add3A_115 : i32
      %get3A_133 = arith.index_cast %add3A_132 : i32 to index
      %get3A_134 = tpu.vector_load %arg7[%get3A_133] {strides = array<i32>} : memref<18432xi32, #tpu.memory_space<vmem>>, vector<16xi32>,
      %get3A_135 = vector.shape_cast %get3A_134 : vector<16xi32> to vector<16xi32>
      %add3A_136 = arith.addi %get3A_135, %min3A_130 : vector<16xi32>
      %swap3A_137 = arith.index_cast %add3A_115 : i32 to index
      %swap3A_138 = tpu.vector_load %arg8[%swap3A_137] {strides = array<i32>} : memref<6400xi32, #tpu.memory_space<vmem>>, vector<16xi32>,
      %swap3A_139 = vector.shape_cast %swap3A_138 : vector<16xi32> to vector<16xi32>
      %swap3A_140 = vector.shape_cast %add3A_136 : vector<16xi32> to vector<16xi32>
      tpu.vector_store %arg8[%swap3A_137], %swap3A_140 {strides = array<i32>} : memref<6400xi32, #tpu.memory_space<vmem>>, vector<16xi32>,
      %mul3A_141 = arith.constant 128 : i32
      %mul3A_142 = arith.muli %scan3A_57, %mul3A_141 : i32
      %add3A_143 = arith.constant 48 : i32
      %add3A_144 = arith.addi %mul3A_142, %add3A_143 : i32
      %add3A_145 = arith.constant 0 : i32
      %add3A_146 = arith.addi %add3A_145, %add3A_144 : i32
      %get3A_147 = arith.index_cast %add3A_146 : i32 to index
      %get3A_148 = tpu.vector_load %arg6[%get3A_147] {strides = array<i32>} : memref<18432xf32, #tpu.memory_space<vmem>>, vector<16xf32>,
      %get3A_149 = vector.shape_cast %get3A_148 : vector<16xf32> to vector<16xf32>
      %mul3A_150 = arith.constant 1.280000e+02 : f32
      %mul3A_151 = vector.broadcast %mul3A_150 : f32 to vector<16xf32>
      %mul3A_152 = arith.mulf %get3A_149, %mul3A_151 : vector<16xf32>
      %convert_element_type3A_153 = arith.fptosi %mul3A_152 : vector<16xf32> to vector<16xi32>
      %jit3A_154 = arith.constant 0 : i32
      %jit3A_155 = arith.constant 127 : i32
      %max3A_156 = vector.broadcast %jit3A_154 : i32 to vector<16xi32>
      %max3A_157 = arith.maxsi %max3A_156, %convert_element_type3A_153 : vector<16xi32>
      %min3A_158 = vector.broadcast %jit3A_155 : i32 to vector<16xi32>
      %min3A_159 = arith.minsi %min3A_158, %max3A_157 : vector<16xi32>
      %add3A_160 = arith.constant 0 : i32
      %add3A_161 = arith.addi %add3A_160, %add3A_144 : i32
      %get3A_162 = arith.index_cast %add3A_161 : i32 to index
      %get3A_163 = tpu.vector_load %arg7[%get3A_162] {strides = array<i32>} : memref<18432xi32, #tpu.memory_space<vmem>>, vector<16xi32>,
      %get3A_164 = vector.shape_cast %get3A_163 : vector<16xi32> to vector<16xi32>
      %add3A_165 = arith.addi %get3A_164, %min3A_159 : vector<16xi32>
      %swap3A_166 = arith.index_cast %add3A_144 : i32 to index
      %swap3A_167 = tpu.vector_load %arg8[%swap3A_166] {strides = array<i32>} : memref<6400xi32, #tpu.memory_space<vmem>>, vector<16xi32>,
      %swap3A_168 = vector.shape_cast %swap3A_167 : vector<16xi32> to vector<16xi32>
      %swap3A_169 = vector.shape_cast %add3A_165 : vector<16xi32> to vector<16xi32>
      tpu.vector_store %arg8[%swap3A_166], %swap3A_169 {strides = array<i32>} : memref<6400xi32, #tpu.memory_space<vmem>>, vector<16xi32>,
      %mul3A_170 = arith.constant 128 : i32
      %mul3A_171 = arith.muli %scan3A_57, %mul3A_170 : i32
      %add3A_172 = arith.constant 64 : i32
      %add3A_173 = arith.addi %mul3A_171, %add3A_172 : i32
      %add3A_174 = arith.constant 0 : i32
      %add3A_175 = arith.addi %add3A_174, %add3A_173 : i32
      %get3A_176 = arith.index_cast %add3A_175 : i32 to index
      %get3A_177 = tpu.vector_load %arg6[%get3A_176] {strides = array<i32>} : memref<18432xf32, #tpu.memory_space<vmem>>, vector<16xf32>,
      %get3A_178 = vector.shape_cast %get3A_177 : vector<16xf32> to vector<16xf32>
      %mul3A_179 = arith.constant 1.280000e+02 : f32
      %mul3A_180 = vector.broadcast %mul3A_179 : f32 to vector<16xf32>
      %mul3A_181 = arith.mulf %get3A_178, %mul3A_180 : vector<16xf32>
      %convert_element_type3A_182 = arith.fptosi %mul3A_181 : vector<16xf32> to vector<16xi32>
      %jit3A_183 = arith.constant 0 : i32
      %jit3A_184 = arith.constant 127 : i32
      %max3A_185 = vector.broadcast %jit3A_183 : i32 to vector<16xi32>
      %max3A_186 = arith.maxsi %max3A_185, %convert_element_type3A_182 : vector<16xi32>
      %min3A_187 = vector.broadcast %jit3A_184 : i32 to vector<16xi32>
      %min3A_188 = arith.minsi %min3A_187, %max3A_186 : vector<16xi32>
      %add3A_189 = arith.constant 0 : i32
      %add3A_190 = arith.addi %add3A_189, %add3A_173 : i32
      %get3A_191 = arith.index_cast %add3A_190 : i32 to index
      %get3A_192 = tpu.vector_load %arg7[%get3A_191] {strides = array<i32>} : memref<18432xi32, #tpu.memory_space<vmem>>, vector<16xi32>,
      %get3A_193 = vector.shape_cast %get3A_192 : vector<16xi32> to vector<16xi32>
      %add3A_194 = arith.addi %get3A_193, %min3A_188 : vector<16xi32>
      %swap3A_195 = arith.index_cast %add3A_173 : i32 to index
      %swap3A_196 = tpu.vector_load %arg8[%swap3A_195] {strides = array<i32>} : memref<6400xi32, #tpu.memory_space<vmem>>, vector<16xi32>,
      %swap3A_197 = vector.shape_cast %swap3A_196 : vector<16xi32> to vector<16xi32>
      %swap3A_198 = vector.shape_cast %add3A_194 : vector<16xi32> to vector<16xi32>
      tpu.vector_store %arg8[%swap3A_195], %swap3A_198 {strides = array<i32>} : memref<6400xi32, #tpu.memory_space<vmem>>, vector<16xi32>,
      %mul3A_199 = arith.constant 128 : i32
      %mul3A_200 = arith.muli %scan3A_57, %mul3A_199 : i32
      %add3A_201 = arith.constant 80 : i32
      %add3A_202 = arith.addi %mul3A_200, %add3A_201 : i32
      %add3A_203 = arith.constant 0 : i32
      %add3A_204 = arith.addi %add3A_203, %add3A_202 : i32
      %get3A_205 = arith.index_cast %add3A_204 : i32 to index
      %get3A_206 = tpu.vector_load %arg6[%get3A_205] {strides = array<i32>} : memref<18432xf32, #tpu.memory_space<vmem>>, vector<16xf32>,
      %get3A_207 = vector.shape_cast %get3A_206 : vector<16xf32> to vector<16xf32>
      %mul3A_208 = arith.constant 1.280000e+02 : f32
      %mul3A_209 = vector.broadcast %mul3A_208 : f32 to vector<16xf32>
      %mul3A_210 = arith.mulf %get3A_207, %mul3A_209 : vector<16xf32>
      %convert_element_type3A_211 = arith.fptosi %mul3A_210 : vector<16xf32> to vector<16xi32>
      %jit3A_212 = arith.constant 0 : i32
      %jit3A_213 = arith.constant 127 : i32
      %max3A_214 = vector.broadcast %jit3A_212 : i32 to vector<16xi32>
      %max3A_215 = arith.maxsi %max3A_214, %convert_element_type3A_211 : vector<16xi32>
      %min3A_216 = vector.broadcast %jit3A_213 : i32 to vector<16xi32>
      %min3A_217 = arith.minsi %min3A_216, %max3A_215 : vector<16xi32>
      %add3A_218 = arith.constant 0 : i32
      %add3A_219 = arith.addi %add3A_218, %add3A_202 : i32
      %get3A_220 = arith.index_cast %add3A_219 : i32 to index
      %get3A_221 = tpu.vector_load %arg7[%get3A_220] {strides = array<i32>} : memref<18432xi32, #tpu.memory_space<vmem>>, vector<16xi32>,
      %get3A_222 = vector.shape_cast %get3A_221 : vector<16xi32> to vector<16xi32>
      %add3A_223 = arith.addi %get3A_222, %min3A_217 : vector<16xi32>
      %swap3A_224 = arith.index_cast %add3A_202 : i32 to index
      %swap3A_225 = tpu.vector_load %arg8[%swap3A_224] {strides = array<i32>} : memref<6400xi32, #tpu.memory_space<vmem>>, vector<16xi32>,
      %swap3A_226 = vector.shape_cast %swap3A_225 : vector<16xi32> to vector<16xi32>
      %swap3A_227 = vector.shape_cast %add3A_223 : vector<16xi32> to vector<16xi32>
      tpu.vector_store %arg8[%swap3A_224], %swap3A_227 {strides = array<i32>} : memref<6400xi32, #tpu.memory_space<vmem>>, vector<16xi32>,
      %mul3A_228 = arith.constant 128 : i32
      %mul3A_229 = arith.muli %scan3A_57, %mul3A_228 : i32
      %add3A_230 = arith.constant 96 : i32
      %add3A_231 = arith.addi %mul3A_229, %add3A_230 : i32
      %add3A_232 = arith.constant 0 : i32
      %add3A_233 = arith.addi %add3A_232, %add3A_231 : i32
      %get3A_234 = arith.index_cast %add3A_233 : i32 to index
      %get3A_235 = tpu.vector_load %arg6[%get3A_234] {strides = array<i32>} : memref<18432xf32, #tpu.memory_space<vmem>>, vector<16xf32>,
      %get3A_236 = vector.shape_cast %get3A_235 : vector<16xf32> to vector<16xf32>
      %mul3A_237 = arith.constant 1.280000e+02 : f32
      %mul3A_238 = vector.broadcast %mul3A_237 : f32 to vector<16xf32>
      %mul3A_239 = arith.mulf %get3A_236, %mul3A_238 : vector<16xf32>
      %convert_element_type3A_240 = arith.fptosi %mul3A_239 : vector<16xf32> to vector<16xi32>
      %jit3A_241 = arith.constant 0 : i32
      %jit3A_242 = arith.constant 127 : i32
      %max3A_243 = vector.broadcast %jit3A_241 : i32 to vector<16xi32>
      %max3A_244 = arith.maxsi %max3A_243, %convert_element_type3A_240 : vector<16xi32>
      %min3A_245 = vector.broadcast %jit3A_242 : i32 to vector<16xi32>
      %min3A_246 = arith.minsi %min3A_245, %max3A_244 : vector<16xi32>
      %add3A_247 = arith.constant 0 : i32
      %add3A_248 = arith.addi %add3A_247, %add3A_231 : i32
      %get3A_249 = arith.index_cast %add3A_248 : i32 to index
      %get3A_250 = tpu.vector_load %arg7[%get3A_249] {strides = array<i32>} : memref<18432xi32, #tpu.memory_space<vmem>>, vector<16xi32>,
      %get3A_251 = vector.shape_cast %get3A_250 : vector<16xi32> to vector<16xi32>
      %add3A_252 = arith.addi %get3A_251, %min3A_246 : vector<16xi32>
      %swap3A_253 = arith.index_cast %add3A_231 : i32 to index
      %swap3A_254 = tpu.vector_load %arg8[%swap3A_253] {strides = array<i32>} : memref<6400xi32, #tpu.memory_space<vmem>>, vector<16xi32>,
      %swap3A_255 = vector.shape_cast %swap3A_254 : vector<16xi32> to vector<16xi32>
      %swap3A_256 = vector.shape_cast %add3A_252 : vector<16xi32> to vector<16xi32>
      tpu.vector_store %arg8[%swap3A_253], %swap3A_256 {strides = array<i32>} : memref<6400xi32, #tpu.memory_space<vmem>>, vector<16xi32>,
      %mul3A_257 = arith.constant 128 : i32
      %mul3A_258 = arith.muli %scan3A_57, %mul3A_257 : i32
      %add3A_259 = arith.constant 112 : i32
      %add3A_260 = arith.addi %mul3A_258, %add3A_259 : i32
      %add3A_261 = arith.constant 0 : i32
      %add3A_262 = arith.addi %add3A_261, %add3A_260 : i32
      %get3A_263 = arith.index_cast %add3A_262 : i32 to index
      %get3A_264 = tpu.vector_load %arg6[%get3A_263] {strides = array<i32>} : memref<18432xf32, #tpu.memory_space<vmem>>, vector<16xf32>,
      %get3A_265 = vector.shape_cast %get3A_264 : vector<16xf32> to vector<16xf32>
      %mul3A_266 = arith.constant 1.280000e+02 : f32
      %mul3A_267 = vector.broadcast %mul3A_266 : f32 to vector<16xf32>
      %mul3A_268 = arith.mulf %get3A_265, %mul3A_267 : vector<16xf32>
      %convert_element_type3A_269 = arith.fptosi %mul3A_268 : vector<16xf32> to vector<16xi32>
      %jit3A_270 = arith.constant 0 : i32
      %jit3A_271 = arith.constant 127 : i32
      %max3A_272 = vector.broadcast %jit3A_270 : i32 to vector<16xi32>
      %max3A_273 = arith.maxsi %max3A_272, %convert_element_type3A_269 : vector<16xi32>
      %min3A_274 = vector.broadcast %jit3A_271 : i32 to vector<16xi32>
      %min3A_275 = arith.minsi %min3A_274, %max3A_273 : vector<16xi32>
      %add3A_276 = arith.constant 0 : i32
      %add3A_277 = arith.addi %add3A_276, %add3A_260 : i32
      %get3A_278 = arith.index_cast %add3A_277 : i32 to index
      %get3A_279 = tpu.vector_load %arg7[%get3A_278] {strides = array<i32>} : memref<18432xi32, #tpu.memory_space<vmem>>, vector<16xi32>,
      %get3A_280 = vector.shape_cast %get3A_279 : vector<16xi32> to vector<16xi32>
      %add3A_281 = arith.addi %get3A_280, %min3A_275 : vector<16xi32>
      %swap3A_282 = arith.index_cast %add3A_260 : i32 to index
      %swap3A_283 = tpu.vector_load %arg8[%swap3A_282] {strides = array<i32>} : memref<6400xi32, #tpu.memory_space<vmem>>, vector<16xi32>,
      %swap3A_284 = vector.shape_cast %swap3A_283 : vector<16xi32> to vector<16xi32>
      %swap3A_285 = vector.shape_cast %add3A_281 : vector<16xi32> to vector<16xi32>
      tpu.vector_store %arg8[%swap3A_282], %swap3A_285 {strides = array<i32>} : memref<6400xi32, #tpu.memory_space<vmem>>, vector<16xi32>,
    }
    %scan3A_18 = arith.constant 50 : i32
    %dma_start3A_19 = arith.constant 0 : i32
    %dma_start3A_20 = tpu.memref_slice %arg4[%dma_start3A_19] : memref<6400000xf32, #tpu.memory_space<hbm>> -> memref<6400000xf32, #tpu.memory_space<hbm>>
    tpu.enqueue_indirect_dma source(%dma_start3A_20 : memref<6400000xf32, #tpu.memory_space<hbm>>) target(%arg11 : memref<6400xf32, #tpu.memory_space<vmem>>) offsets(%arg8 : memref<6400xi32, #tpu.memory_space<vmem>>) semaphore(%arg15 : memref<!tpu.dma_semaphore, #tpu.memory_space<semaphore_mem>>)
    %scan3A_21 = arith.constant 0 : i32
    %scan3A_22 = arith.constant 0 : i32
    %scan3A_23 = arith.constant 51 : i32
    %scan3A_24 = arith.addi %scan3A_22, %scan3A_23 : i32
    %scan3A_25 = arith.constant 1 : i32
    scf.for %scan3A_57 = %scan3A_22 to %scan3A_24 step %scan3A_25  : i32 {
      %mul3A_58 = arith.constant 128 : i32
      %mul3A_59 = arith.muli %scan3A_57, %mul3A_58 : i32
      %add3A_60 = arith.constant 0 : i32
      %add3A_61 = arith.addi %mul3A_59, %add3A_60 : i32
      %add3A_62 = arith.constant 6400 : i32
      %add3A_63 = arith.addi %add3A_62, %add3A_61 : i32
      %get3A = arith.index_cast %add3A_63 : i32 to index
      %get3A_64 = tpu.vector_load %arg6[%get3A] {strides = array<i32>} : memref<18432xf32, #tpu.memory_space<vmem>>, vector<16xf32>,
      %get3A_65 = vector.shape_cast %get3A_64 : vector<16xf32> to vector<16xf32>
      %mul3A_66 = arith.constant 1.280000e+02 : f32
      %mul3A_67 = vector.broadcast %mul3A_66 : f32 to vector<16xf32>
      %mul3A_68 = arith.mulf %get3A_65, %mul3A_67 : vector<16xf32>
      %convert_element_type3A_69 = arith.fptosi %mul3A_68 : vector<16xf32> to vector<16xi32>
      %jit3A = arith.constant 0 : i32
      %jit3A_70 = arith.constant 127 : i32
      %max3A = vector.broadcast %jit3A : i32 to vector<16xi32>
      %max3A_71 = arith.maxsi %max3A, %convert_element_type3A_69 : vector<16xi32>
      %min3A = vector.broadcast %jit3A_70 : i32 to vector<16xi32>
      %min3A_72 = arith.minsi %min3A, %max3A_71 : vector<16xi32>
      %add3A_73 = arith.constant 6400 : i32
      %add3A_74 = arith.addi %add3A_73, %add3A_61 : i32
      %get3A_75 = arith.index_cast %add3A_74 : i32 to index
      %get3A_76 = tpu.vector_load %arg7[%get3A_75] {strides = array<i32>} : memref<18432xi32, #tpu.memory_space<vmem>>, vector<16xi32>,
      %get3A_77 = vector.shape_cast %get3A_76 : vector<16xi32> to vector<16xi32>
      %add3A_78 = arith.addi %get3A_77, %min3A_72 : vector<16xi32>
      %swap3A_79 = arith.index_cast %add3A_61 : i32 to index
      %swap3A_80 = tpu.vector_load %arg9[%swap3A_79] {strides = array<i32>} : memref<6528xi32, #tpu.memory_space<vmem>>, vector<16xi32>,
      %swap3A_81 = vector.shape_cast %swap3A_80 : vector<16xi32> to vector<16xi32>
      %swap3A_82 = vector.shape_cast %add3A_78 : vector<16xi32> to vector<16xi32>
      tpu.vector_store %arg9[%swap3A_79], %swap3A_82 {strides = array<i32>} : memref<6528xi32, #tpu.memory_space<vmem>>, vector<16xi32>,
      %mul3A_83 = arith.constant 128 : i32
      %mul3A_84 = arith.muli %scan3A_57, %mul3A_83 : i32
      %add3A_85 = arith.constant 16 : i32
      %add3A_86 = arith.addi %mul3A_84, %add3A_85 : i32
      %add3A_87 = arith.constant 6400 : i32
      %add3A_88 = arith.addi %add3A_87, %add3A_86 : i32
      %get3A_89 = arith.index_cast %add3A_88 : i32 to index
      %get3A_90 = tpu.vector_load %arg6[%get3A_89] {strides = array<i32>} : memref<18432xf32, #tpu.memory_space<vmem>>, vector<16xf32>,
      %get3A_91 = vector.shape_cast %get3A_90 : vector<16xf32> to vector<16xf32>
      %mul3A_92 = arith.constant 1.280000e+02 : f32
      %mul3A_93 = vector.broadcast %mul3A_92 : f32 to vector<16xf32>
      %mul3A_94 = arith.mulf %get3A_91, %mul3A_93 : vector<16xf32>
      %convert_element_type3A_95 = arith.fptosi %mul3A_94 : vector<16xf32> to vector<16xi32>
      %jit3A_96 = arith.constant 0 : i32
      %jit3A_97 = arith.constant 127 : i32
      %max3A_98 = vector.broadcast %jit3A_96 : i32 to vector<16xi32>
      %max3A_99 = arith.maxsi %max3A_98, %convert_element_type3A_95 : vector<16xi32>
      %min3A_100 = vector.broadcast %jit3A_97 : i32 to vector<16xi32>
      %min3A_101 = arith.minsi %min3A_100, %max3A_99 : vector<16xi32>
      %add3A_102 = arith.constant 6400 : i32
      %add3A_103 = arith.addi %add3A_102, %add3A_86 : i32
      %get3A_104 = arith.index_cast %add3A_103 : i32 to index
      %get3A_105 = tpu.vector_load %arg7[%get3A_104] {strides = array<i32>} : memref<18432xi32, #tpu.memory_space<vmem>>, vector<16xi32>,
      %get3A_106 = vector.shape_cast %get3A_105 : vector<16xi32> to vector<16xi32>
      %add3A_107 = arith.addi %get3A_106, %min3A_101 : vector<16xi32>
      %swap3A_108 = arith.index_cast %add3A_86 : i32 to index
      %swap3A_109 = tpu.vector_load %arg9[%swap3A_108] {strides = array<i32>} : memref<6528xi32, #tpu.memory_space<vmem>>, vector<16xi32>,
      %swap3A_110 = vector.shape_cast %swap3A_109 : vector<16xi32> to vector<16xi32>
      %swap3A_111 = vector.shape_cast %add3A_107 : vector<16xi32> to vector<16xi32>
      tpu.vector_store %arg9[%swap3A_108], %swap3A_111 {strides = array<i32>} : memref<6528xi32, #tpu.memory_space<vmem>>, vector<16xi32>,
      %mul3A_112 = arith.constant 128 : i32
      %mul3A_113 = arith.muli %scan3A_57, %mul3A_112 : i32
      %add3A_114 = arith.constant 32 : i32
      %add3A_115 = arith.addi %mul3A_113, %add3A_114 : i32
      %add3A_116 = arith.constant 6400 : i32
      %add3A_117 = arith.addi %add3A_116, %add3A_115 : i32
      %get3A_118 = arith.index_cast %add3A_117 : i32 to index
      %get3A_119 = tpu.vector_load %arg6[%get3A_118] {strides = array<i32>} : memref<18432xf32, #tpu.memory_space<vmem>>, vector<16xf32>,
      %get3A_120 = vector.shape_cast %get3A_119 : vector<16xf32> to vector<16xf32>
      %mul3A_121 = arith.constant 1.280000e+02 : f32
      %mul3A_122 = vector.broadcast %mul3A_121 : f32 to vector<16xf32>
      %mul3A_123 = arith.mulf %get3A_120, %mul3A_122 : vector<16xf32>
      %convert_element_type3A_124 = arith.fptosi %mul3A_123 : vector<16xf32> to vector<16xi32>
      %jit3A_125 = arith.constant 0 : i32
      %jit3A_126 = arith.constant 127 : i32
      %max3A_127 = vector.broadcast %jit3A_125 : i32 to vector<16xi32>
      %max3A_128 = arith.maxsi %max3A_127, %convert_element_type3A_124 : vector<16xi32>
      %min3A_129 = vector.broadcast %jit3A_126 : i32 to vector<16xi32>
      %min3A_130 = arith.minsi %min3A_129, %max3A_128 : vector<16xi32>
      %add3A_131 = arith.constant 6400 : i32
      %add3A_132 = arith.addi %add3A_131, %add3A_115 : i32
      %get3A_133 = arith.index_cast %add3A_132 : i32 to index
      %get3A_134 = tpu.vector_load %arg7[%get3A_133] {strides = array<i32>} : memref<18432xi32, #tpu.memory_space<vmem>>, vector<16xi32>,
      %get3A_135 = vector.shape_cast %get3A_134 : vector<16xi32> to vector<16xi32>
      %add3A_136 = arith.addi %get3A_135, %min3A_130 : vector<16xi32>
      %swap3A_137 = arith.index_cast %add3A_115 : i32 to index
      %swap3A_138 = tpu.vector_load %arg9[%swap3A_137] {strides = array<i32>} : memref<6528xi32, #tpu.memory_space<vmem>>, vector<16xi32>,
      %swap3A_139 = vector.shape_cast %swap3A_138 : vector<16xi32> to vector<16xi32>
      %swap3A_140 = vector.shape_cast %add3A_136 : vector<16xi32> to vector<16xi32>
      tpu.vector_store %arg9[%swap3A_137], %swap3A_140 {strides = array<i32>} : memref<6528xi32, #tpu.memory_space<vmem>>, vector<16xi32>,
      %mul3A_141 = arith.constant 128 : i32
      %mul3A_142 = arith.muli %scan3A_57, %mul3A_141 : i32
      %add3A_143 = arith.constant 48 : i32
      %add3A_144 = arith.addi %mul3A_142, %add3A_143 : i32
      %add3A_145 = arith.constant 6400 : i32
      %add3A_146 = arith.addi %add3A_145, %add3A_144 : i32
      %get3A_147 = arith.index_cast %add3A_146 : i32 to index
      %get3A_148 = tpu.vector_load %arg6[%get3A_147] {strides = array<i32>} : memref<18432xf32, #tpu.memory_space<vmem>>, vector<16xf32>,
      %get3A_149 = vector.shape_cast %get3A_148 : vector<16xf32> to vector<16xf32>
      %mul3A_150 = arith.constant 1.280000e+02 : f32
      %mul3A_151 = vector.broadcast %mul3A_150 : f32 to vector<16xf32>
      %mul3A_152 = arith.mulf %get3A_149, %mul3A_151 : vector<16xf32>
      %convert_element_type3A_153 = arith.fptosi %mul3A_152 : vector<16xf32> to vector<16xi32>
      %jit3A_154 = arith.constant 0 : i32
      %jit3A_155 = arith.constant 127 : i32
      %max3A_156 = vector.broadcast %jit3A_154 : i32 to vector<16xi32>
      %max3A_157 = arith.maxsi %max3A_156, %convert_element_type3A_153 : vector<16xi32>
      %min3A_158 = vector.broadcast %jit3A_155 : i32 to vector<16xi32>
      %min3A_159 = arith.minsi %min3A_158, %max3A_157 : vector<16xi32>
      %add3A_160 = arith.constant 6400 : i32
      %add3A_161 = arith.addi %add3A_160, %add3A_144 : i32
      %get3A_162 = arith.index_cast %add3A_161 : i32 to index
      %get3A_163 = tpu.vector_load %arg7[%get3A_162] {strides = array<i32>} : memref<18432xi32, #tpu.memory_space<vmem>>, vector<16xi32>,
      %get3A_164 = vector.shape_cast %get3A_163 : vector<16xi32> to vector<16xi32>
      %add3A_165 = arith.addi %get3A_164, %min3A_159 : vector<16xi32>
      %swap3A_166 = arith.index_cast %add3A_144 : i32 to index
      %swap3A_167 = tpu.vector_load %arg9[%swap3A_166] {strides = array<i32>} : memref<6528xi32, #tpu.memory_space<vmem>>, vector<16xi32>,
      %swap3A_168 = vector.shape_cast %swap3A_167 : vector<16xi32> to vector<16xi32>
      %swap3A_169 = vector.shape_cast %add3A_165 : vector<16xi32> to vector<16xi32>
      tpu.vector_store %arg9[%swap3A_166], %swap3A_169 {strides = array<i32>} : memref<6528xi32, #tpu.memory_space<vmem>>, vector<16xi32>,
      %mul3A_170 = arith.constant 128 : i32
      %mul3A_171 = arith.muli %scan3A_57, %mul3A_170 : i32
      %add3A_172 = arith.constant 64 : i32
      %add3A_173 = arith.addi %mul3A_171, %add3A_172 : i32
      %add3A_174 = arith.constant 6400 : i32
      %add3A_175 = arith.addi %add3A_174, %add3A_173 : i32
      %get3A_176 = arith.index_cast %add3A_175 : i32 to index
      %get3A_177 = tpu.vector_load %arg6[%get3A_176] {strides = array<i32>} : memref<18432xf32, #tpu.memory_space<vmem>>, vector<16xf32>,
      %get3A_178 = vector.shape_cast %get3A_177 : vector<16xf32> to vector<16xf32>
      %mul3A_179 = arith.constant 1.280000e+02 : f32
      %mul3A_180 = vector.broadcast %mul3A_179 : f32 to vector<16xf32>
      %mul3A_181 = arith.mulf %get3A_178, %mul3A_180 : vector<16xf32>
      %convert_element_type3A_182 = arith.fptosi %mul3A_181 : vector<16xf32> to vector<16xi32>
      %jit3A_183 = arith.constant 0 : i32
      %jit3A_184 = arith.constant 127 : i32
      %max3A_185 = vector.broadcast %jit3A_183 : i32 to vector<16xi32>
      %max3A_186 = arith.maxsi %max3A_185, %convert_element_type3A_182 : vector<16xi32>
      %min3A_187 = vector.broadcast %jit3A_184 : i32 to vector<16xi32>
      %min3A_188 = arith.minsi %min3A_187, %max3A_186 : vector<16xi32>
      %add3A_189 = arith.constant 6400 : i32
      %add3A_190 = arith.addi %add3A_189, %add3A_173 : i32
      %get3A_191 = arith.index_cast %add3A_190 : i32 to index
      %get3A_192 = tpu.vector_load %arg7[%get3A_191] {strides = array<i32>} : memref<18432xi32, #tpu.memory_space<vmem>>, vector<16xi32>,
      %get3A_193 = vector.shape_cast %get3A_192 : vector<16xi32> to vector<16xi32>
      %add3A_194 = arith.addi %get3A_193, %min3A_188 : vector<16xi32>
      %swap3A_195 = arith.index_cast %add3A_173 : i32 to index
      %swap3A_196 = tpu.vector_load %arg9[%swap3A_195] {strides = array<i32>} : memref<6528xi32, #tpu.memory_space<vmem>>, vector<16xi32>,
      %swap3A_197 = vector.shape_cast %swap3A_196 : vector<16xi32> to vector<16xi32>
      %swap3A_198 = vector.shape_cast %add3A_194 : vector<16xi32> to vector<16xi32>
      tpu.vector_store %arg9[%swap3A_195], %swap3A_198 {strides = array<i32>} : memref<6528xi32, #tpu.memory_space<vmem>>, vector<16xi32>,
      %mul3A_199 = arith.constant 128 : i32
      %mul3A_200 = arith.muli %scan3A_57, %mul3A_199 : i32
      %add3A_201 = arith.constant 80 : i32
      %add3A_202 = arith.addi %mul3A_200, %add3A_201 : i32
      %add3A_203 = arith.constant 6400 : i32
      %add3A_204 = arith.addi %add3A_203, %add3A_202 : i32
      %get3A_205 = arith.index_cast %add3A_204 : i32 to index
      %get3A_206 = tpu.vector_load %arg6[%get3A_205] {strides = array<i32>} : memref<18432xf32, #tpu.memory_space<vmem>>, vector<16xf32>,
      %get3A_207 = vector.shape_cast %get3A_206 : vector<16xf32> to vector<16xf32>
      %mul3A_208 = arith.constant 1.280000e+02 : f32
      %mul3A_209 = vector.broadcast %mul3A_208 : f32 to vector<16xf32>
      %mul3A_210 = arith.mulf %get3A_207, %mul3A_209 : vector<16xf32>
      %convert_element_type3A_211 = arith.fptosi %mul3A_210 : vector<16xf32> to vector<16xi32>
      %jit3A_212 = arith.constant 0 : i32
      %jit3A_213 = arith.constant 127 : i32
      %max3A_214 = vector.broadcast %jit3A_212 : i32 to vector<16xi32>
      %max3A_215 = arith.maxsi %max3A_214, %convert_element_type3A_211 : vector<16xi32>
      %min3A_216 = vector.broadcast %jit3A_213 : i32 to vector<16xi32>
      %min3A_217 = arith.minsi %min3A_216, %max3A_215 : vector<16xi32>
      %add3A_218 = arith.constant 6400 : i32
      %add3A_219 = arith.addi %add3A_218, %add3A_202 : i32
      %get3A_220 = arith.index_cast %add3A_219 : i32 to index
      %get3A_221 = tpu.vector_load %arg7[%get3A_220] {strides = array<i32>} : memref<18432xi32, #tpu.memory_space<vmem>>, vector<16xi32>,
      %get3A_222 = vector.shape_cast %get3A_221 : vector<16xi32> to vector<16xi32>
      %add3A_223 = arith.addi %get3A_222, %min3A_217 : vector<16xi32>
      %swap3A_224 = arith.index_cast %add3A_202 : i32 to index
      %swap3A_225 = tpu.vector_load %arg9[%swap3A_224] {strides = array<i32>} : memref<6528xi32, #tpu.memory_space<vmem>>, vector<16xi32>,
      %swap3A_226 = vector.shape_cast %swap3A_225 : vector<16xi32> to vector<16xi32>
      %swap3A_227 = vector.shape_cast %add3A_223 : vector<16xi32> to vector<16xi32>
      tpu.vector_store %arg9[%swap3A_224], %swap3A_227 {strides = array<i32>} : memref<6528xi32, #tpu.memory_space<vmem>>, vector<16xi32>,
      %mul3A_228 = arith.constant 128 : i32
      %mul3A_229 = arith.muli %scan3A_57, %mul3A_228 : i32
      %add3A_230 = arith.constant 96 : i32
      %add3A_231 = arith.addi %mul3A_229, %add3A_230 : i32
      %add3A_232 = arith.constant 6400 : i32
      %add3A_233 = arith.addi %add3A_232, %add3A_231 : i32
      %get3A_234 = arith.index_cast %add3A_233 : i32 to index
      %get3A_235 = tpu.vector_load %arg6[%get3A_234] {strides = array<i32>} : memref<18432xf32, #tpu.memory_space<vmem>>, vector<16xf32>,
      %get3A_236 = vector.shape_cast %get3A_235 : vector<16xf32> to vector<16xf32>
      %mul3A_237 = arith.constant 1.280000e+02 : f32
      %mul3A_238 = vector.broadcast %mul3A_237 : f32 to vector<16xf32>
      %mul3A_239 = arith.mulf %get3A_236, %mul3A_238 : vector<16xf32>
      %convert_element_type3A_240 = arith.fptosi %mul3A_239 : vector<16xf32> to vector<16xi32>
      %jit3A_241 = arith.constant 0 : i32
      %jit3A_242 = arith.constant 127 : i32
      %max3A_243 = vector.broadcast %jit3A_241 : i32 to vector<16xi32>
      %max3A_244 = arith.maxsi %max3A_243, %convert_element_type3A_240 : vector<16xi32>
      %min3A_245 = vector.broadcast %jit3A_242 : i32 to vector<16xi32>
      %min3A_246 = arith.minsi %min3A_245, %max3A_244 : vector<16xi32>
      %add3A_247 = arith.constant 6400 : i32
      %add3A_248 = arith.addi %add3A_247, %add3A_231 : i32
      %get3A_249 = arith.index_cast %add3A_248 : i32 to index
      %get3A_250 = tpu.vector_load %arg7[%get3A_249] {strides = array<i32>} : memref<18432xi32, #tpu.memory_space<vmem>>, vector<16xi32>,
      %get3A_251 = vector.shape_cast %get3A_250 : vector<16xi32> to vector<16xi32>
      %add3A_252 = arith.addi %get3A_251, %min3A_246 : vector<16xi32>
      %swap3A_253 = arith.index_cast %add3A_231 : i32 to index
      %swap3A_254 = tpu.vector_load %arg9[%swap3A_253] {strides = array<i32>} : memref<6528xi32, #tpu.memory_space<vmem>>, vector<16xi32>,
      %swap3A_255 = vector.shape_cast %swap3A_254 : vector<16xi32> to vector<16xi32>
      %swap3A_256 = vector.shape_cast %add3A_252 : vector<16xi32> to vector<16xi32>
      tpu.vector_store %arg9[%swap3A_253], %swap3A_256 {strides = array<i32>} : memref<6528xi32, #tpu.memory_space<vmem>>, vector<16xi32>,
      %mul3A_257 = arith.constant 128 : i32
      %mul3A_258 = arith.muli %scan3A_57, %mul3A_257 : i32
      %add3A_259 = arith.constant 112 : i32
      %add3A_260 = arith.addi %mul3A_258, %add3A_259 : i32
      %add3A_261 = arith.constant 6400 : i32
      %add3A_262 = arith.addi %add3A_261, %add3A_260 : i32
      %get3A_263 = arith.index_cast %add3A_262 : i32 to index
      %get3A_264 = tpu.vector_load %arg6[%get3A_263] {strides = array<i32>} : memref<18432xf32, #tpu.memory_space<vmem>>, vector<16xf32>,
      %get3A_265 = vector.shape_cast %get3A_264 : vector<16xf32> to vector<16xf32>
      %mul3A_266 = arith.constant 1.280000e+02 : f32
      %mul3A_267 = vector.broadcast %mul3A_266 : f32 to vector<16xf32>
      %mul3A_268 = arith.mulf %get3A_265, %mul3A_267 : vector<16xf32>
      %convert_element_type3A_269 = arith.fptosi %mul3A_268 : vector<16xf32> to vector<16xi32>
      %jit3A_270 = arith.constant 0 : i32
      %jit3A_271 = arith.constant 127 : i32
      %max3A_272 = vector.broadcast %jit3A_270 : i32 to vector<16xi32>
      %max3A_273 = arith.maxsi %max3A_272, %convert_element_type3A_269 : vector<16xi32>
      %min3A_274 = vector.broadcast %jit3A_271 : i32 to vector<16xi32>
      %min3A_275 = arith.minsi %min3A_274, %max3A_273 : vector<16xi32>
      %add3A_276 = arith.constant 6400 : i32
      %add3A_277 = arith.addi %add3A_276, %add3A_260 : i32
      %get3A_278 = arith.index_cast %add3A_277 : i32 to index
      %get3A_279 = tpu.vector_load %arg7[%get3A_278] {strides = array<i32>} : memref<18432xi32, #tpu.memory_space<vmem>>, vector<16xi32>,
      %get3A_280 = vector.shape_cast %get3A_279 : vector<16xi32> to vector<16xi32>
      %add3A_281 = arith.addi %get3A_280, %min3A_275 : vector<16xi32>
      %swap3A_282 = arith.index_cast %add3A_260 : i32 to index
      %swap3A_283 = tpu.vector_load %arg9[%swap3A_282] {strides = array<i32>} : memref<6528xi32, #tpu.memory_space<vmem>>, vector<16xi32>,
      %swap3A_284 = vector.shape_cast %swap3A_283 : vector<16xi32> to vector<16xi32>
      %swap3A_285 = vector.shape_cast %add3A_281 : vector<16xi32> to vector<16xi32>
      tpu.vector_store %arg9[%swap3A_282], %swap3A_285 {strides = array<i32>} : memref<6528xi32, #tpu.memory_space<vmem>>, vector<16xi32>,
    }
    %scan3A_26 = arith.constant 51 : i32
    %dma_start3A_27 = arith.constant 0 : i32
    %dma_start3A_28 = tpu.memref_slice %arg4[%dma_start3A_27] : memref<6400000xf32, #tpu.memory_space<hbm>> -> memref<6400000xf32, #tpu.memory_space<hbm>>
    tpu.enqueue_indirect_dma source(%dma_start3A_28 : memref<6400000xf32, #tpu.memory_space<hbm>>) target(%arg12 : memref<6528xf32, #tpu.memory_space<vmem>>) offsets(%arg9 : memref<6528xi32, #tpu.memory_space<vmem>>) semaphore(%arg15 : memref<!tpu.dma_semaphore, #tpu.memory_space<semaphore_mem>>)
    %eq3A_29 = arith.constant 0 : i32
    %eq3A_30 = arith.cmpi eq, %arg0, %eq3A_29 : i32
    %convert_element_type3A = arith.extui %eq3A_30 : i1 to i32
    %cond3A = arith.constant 0 : i32
    %cond3A_31 = arith.cmpi ne, %convert_element_type3A, %cond3A : i32
    scf.if %cond3A_31 {
      %scan3A_57 = arith.constant 0 : i32
      %scan3A_58 = arith.constant 0 : i32
      %scan3A_59 = arith.constant 43 : i32
      %scan3A_60 = arith.addi %scan3A_58, %scan3A_59 : i32
      %scan3A_61 = arith.constant 1 : i32
      scf.for %scan3A_65 = %scan3A_58 to %scan3A_60 step %scan3A_61  : i32 {
        %mul3A_66 = arith.constant 128 : i32
        %mul3A_67 = arith.muli %scan3A_65, %mul3A_66 : i32
        %add3A_68 = arith.constant 0 : i32
        %add3A_69 = arith.addi %mul3A_67, %add3A_68 : i32
        %add3A_70 = arith.constant 12928 : i32
        %add3A_71 = arith.addi %add3A_70, %add3A_69 : i32
        %get3A = arith.index_cast %add3A_71 : i32 to index
        %get3A_72 = tpu.vector_load %arg6[%get3A] {strides = array<i32>} : memref<18432xf32, #tpu.memory_space<vmem>>, vector<16xf32>,
        %get3A_73 = vector.shape_cast %get3A_72 : vector<16xf32> to vector<16xf32>
        %mul3A_74 = arith.constant 1.280000e+02 : f32
        %mul3A_75 = vector.broadcast %mul3A_74 : f32 to vector<16xf32>
        %mul3A_76 = arith.mulf %get3A_73, %mul3A_75 : vector<16xf32>
        %convert_element_type3A_77 = arith.fptosi %mul3A_76 : vector<16xf32> to vector<16xi32>
        %jit3A = arith.constant 0 : i32
        %jit3A_78 = arith.constant 127 : i32
        %max3A = vector.broadcast %jit3A : i32 to vector<16xi32>
        %max3A_79 = arith.maxsi %max3A, %convert_element_type3A_77 : vector<16xi32>
        %min3A = vector.broadcast %jit3A_78 : i32 to vector<16xi32>
        %min3A_80 = arith.minsi %min3A, %max3A_79 : vector<16xi32>
        %add3A_81 = arith.constant 12928 : i32
        %add3A_82 = arith.addi %add3A_81, %add3A_69 : i32
        %get3A_83 = arith.index_cast %add3A_82 : i32 to index
        %get3A_84 = tpu.vector_load %arg7[%get3A_83] {strides = array<i32>} : memref<18432xi32, #tpu.memory_space<vmem>>, vector<16xi32>,
        %get3A_85 = vector.shape_cast %get3A_84 : vector<16xi32> to vector<16xi32>
        %add3A_86 = arith.addi %get3A_85, %min3A_80 : vector<16xi32>
        %swap3A_87 = arith.index_cast %add3A_69 : i32 to index
        %swap3A_88 = tpu.vector_load %arg10[%swap3A_87] {strides = array<i32>} : memref<5504xi32, #tpu.memory_space<vmem>>, vector<16xi32>,
        %swap3A_89 = vector.shape_cast %swap3A_88 : vector<16xi32> to vector<16xi32>
        %swap3A_90 = vector.shape_cast %add3A_86 : vector<16xi32> to vector<16xi32>
        tpu.vector_store %arg10[%swap3A_87], %swap3A_90 {strides = array<i32>} : memref<5504xi32, #tpu.memory_space<vmem>>, vector<16xi32>,
        %mul3A_91 = arith.constant 128 : i32
        %mul3A_92 = arith.muli %scan3A_65, %mul3A_91 : i32
        %add3A_93 = arith.constant 16 : i32
        %add3A_94 = arith.addi %mul3A_92, %add3A_93 : i32
        %add3A_95 = arith.constant 12928 : i32
        %add3A_96 = arith.addi %add3A_95, %add3A_94 : i32
        %get3A_97 = arith.index_cast %add3A_96 : i32 to index
        %get3A_98 = tpu.vector_load %arg6[%get3A_97] {strides = array<i32>} : memref<18432xf32, #tpu.memory_space<vmem>>, vector<16xf32>,
        %get3A_99 = vector.shape_cast %get3A_98 : vector<16xf32> to vector<16xf32>
        %mul3A_100 = arith.constant 1.280000e+02 : f32
        %mul3A_101 = vector.broadcast %mul3A_100 : f32 to vector<16xf32>
        %mul3A_102 = arith.mulf %get3A_99, %mul3A_101 : vector<16xf32>
        %convert_element_type3A_103 = arith.fptosi %mul3A_102 : vector<16xf32> to vector<16xi32>
        %jit3A_104 = arith.constant 0 : i32
        %jit3A_105 = arith.constant 127 : i32
        %max3A_106 = vector.broadcast %jit3A_104 : i32 to vector<16xi32>
        %max3A_107 = arith.maxsi %max3A_106, %convert_element_type3A_103 : vector<16xi32>
        %min3A_108 = vector.broadcast %jit3A_105 : i32 to vector<16xi32>
        %min3A_109 = arith.minsi %min3A_108, %max3A_107 : vector<16xi32>
        %add3A_110 = arith.constant 12928 : i32
        %add3A_111 = arith.addi %add3A_110, %add3A_94 : i32
        %get3A_112 = arith.index_cast %add3A_111 : i32 to index
        %get3A_113 = tpu.vector_load %arg7[%get3A_112] {strides = array<i32>} : memref<18432xi32, #tpu.memory_space<vmem>>, vector<16xi32>,
        %get3A_114 = vector.shape_cast %get3A_113 : vector<16xi32> to vector<16xi32>
        %add3A_115 = arith.addi %get3A_114, %min3A_109 : vector<16xi32>
        %swap3A_116 = arith.index_cast %add3A_94 : i32 to index
        %swap3A_117 = tpu.vector_load %arg10[%swap3A_116] {strides = array<i32>} : memref<5504xi32, #tpu.memory_space<vmem>>, vector<16xi32>,
        %swap3A_118 = vector.shape_cast %swap3A_117 : vector<16xi32> to vector<16xi32>
        %swap3A_119 = vector.shape_cast %add3A_115 : vector<16xi32> to vector<16xi32>
        tpu.vector_store %arg10[%swap3A_116], %swap3A_119 {strides = array<i32>} : memref<5504xi32, #tpu.memory_space<vmem>>, vector<16xi32>,
        %mul3A_120 = arith.constant 128 : i32
        %mul3A_121 = arith.muli %scan3A_65, %mul3A_120 : i32
        %add3A_122 = arith.constant 32 : i32
        %add3A_123 = arith.addi %mul3A_121, %add3A_122 : i32
        %add3A_124 = arith.constant 12928 : i32
        %add3A_125 = arith.addi %add3A_124, %add3A_123 : i32
        %get3A_126 = arith.index_cast %add3A_125 : i32 to index
        %get3A_127 = tpu.vector_load %arg6[%get3A_126] {strides = array<i32>} : memref<18432xf32, #tpu.memory_space<vmem>>, vector<16xf32>,
        %get3A_128 = vector.shape_cast %get3A_127 : vector<16xf32> to vector<16xf32>
        %mul3A_129 = arith.constant 1.280000e+02 : f32
        %mul3A_130 = vector.broadcast %mul3A_129 : f32 to vector<16xf32>
        %mul3A_131 = arith.mulf %get3A_128, %mul3A_130 : vector<16xf32>
        %convert_element_type3A_132 = arith.fptosi %mul3A_131 : vector<16xf32> to vector<16xi32>
        %jit3A_133 = arith.constant 0 : i32
        %jit3A_134 = arith.constant 127 : i32
        %max3A_135 = vector.broadcast %jit3A_133 : i32 to vector<16xi32>
        %max3A_136 = arith.maxsi %max3A_135, %convert_element_type3A_132 : vector<16xi32>
        %min3A_137 = vector.broadcast %jit3A_134 : i32 to vector<16xi32>
        %min3A_138 = arith.minsi %min3A_137, %max3A_136 : vector<16xi32>
        %add3A_139 = arith.constant 12928 : i32
        %add3A_140 = arith.addi %add3A_139, %add3A_123 : i32
        %get3A_141 = arith.index_cast %add3A_140 : i32 to index
        %get3A_142 = tpu.vector_load %arg7[%get3A_141] {strides = array<i32>} : memref<18432xi32, #tpu.memory_space<vmem>>, vector<16xi32>,
        %get3A_143 = vector.shape_cast %get3A_142 : vector<16xi32> to vector<16xi32>
        %add3A_144 = arith.addi %get3A_143, %min3A_138 : vector<16xi32>
        %swap3A_145 = arith.index_cast %add3A_123 : i32 to index
        %swap3A_146 = tpu.vector_load %arg10[%swap3A_145] {strides = array<i32>} : memref<5504xi32, #tpu.memory_space<vmem>>, vector<16xi32>,
        %swap3A_147 = vector.shape_cast %swap3A_146 : vector<16xi32> to vector<16xi32>
        %swap3A_148 = vector.shape_cast %add3A_144 : vector<16xi32> to vector<16xi32>
        tpu.vector_store %arg10[%swap3A_145], %swap3A_148 {strides = array<i32>} : memref<5504xi32, #tpu.memory_space<vmem>>, vector<16xi32>,
        %mul3A_149 = arith.constant 128 : i32
        %mul3A_150 = arith.muli %scan3A_65, %mul3A_149 : i32
        %add3A_151 = arith.constant 48 : i32
        %add3A_152 = arith.addi %mul3A_150, %add3A_151 : i32
        %add3A_153 = arith.constant 12928 : i32
        %add3A_154 = arith.addi %add3A_153, %add3A_152 : i32
        %get3A_155 = arith.index_cast %add3A_154 : i32 to index
        %get3A_156 = tpu.vector_load %arg6[%get3A_155] {strides = array<i32>} : memref<18432xf32, #tpu.memory_space<vmem>>, vector<16xf32>,
        %get3A_157 = vector.shape_cast %get3A_156 : vector<16xf32> to vector<16xf32>
        %mul3A_158 = arith.constant 1.280000e+02 : f32
        %mul3A_159 = vector.broadcast %mul3A_158 : f32 to vector<16xf32>
        %mul3A_160 = arith.mulf %get3A_157, %mul3A_159 : vector<16xf32>
        %convert_element_type3A_161 = arith.fptosi %mul3A_160 : vector<16xf32> to vector<16xi32>
        %jit3A_162 = arith.constant 0 : i32
        %jit3A_163 = arith.constant 127 : i32
        %max3A_164 = vector.broadcast %jit3A_162 : i32 to vector<16xi32>
        %max3A_165 = arith.maxsi %max3A_164, %convert_element_type3A_161 : vector<16xi32>
        %min3A_166 = vector.broadcast %jit3A_163 : i32 to vector<16xi32>
        %min3A_167 = arith.minsi %min3A_166, %max3A_165 : vector<16xi32>
        %add3A_168 = arith.constant 12928 : i32
        %add3A_169 = arith.addi %add3A_168, %add3A_152 : i32
        %get3A_170 = arith.index_cast %add3A_169 : i32 to index
        %get3A_171 = tpu.vector_load %arg7[%get3A_170] {strides = array<i32>} : memref<18432xi32, #tpu.memory_space<vmem>>, vector<16xi32>,
        %get3A_172 = vector.shape_cast %get3A_171 : vector<16xi32> to vector<16xi32>
        %add3A_173 = arith.addi %get3A_172, %min3A_167 : vector<16xi32>
        %swap3A_174 = arith.index_cast %add3A_152 : i32 to index
        %swap3A_175 = tpu.vector_load %arg10[%swap3A_174] {strides = array<i32>} : memref<5504xi32, #tpu.memory_space<vmem>>, vector<16xi32>,
        %swap3A_176 = vector.shape_cast %swap3A_175 : vector<16xi32> to vector<16xi32>
        %swap3A_177 = vector.shape_cast %add3A_173 : vector<16xi32> to vector<16xi32>
        tpu.vector_store %arg10[%swap3A_174], %swap3A_177 {strides = array<i32>} : memref<5504xi32, #tpu.memory_space<vmem>>, vector<16xi32>,
        %mul3A_178 = arith.constant 128 : i32
        %mul3A_179 = arith.muli %scan3A_65, %mul3A_178 : i32
        %add3A_180 = arith.constant 64 : i32
        %add3A_181 = arith.addi %mul3A_179, %add3A_180 : i32
        %add3A_182 = arith.constant 12928 : i32
        %add3A_183 = arith.addi %add3A_182, %add3A_181 : i32
        %get3A_184 = arith.index_cast %add3A_183 : i32 to index
        %get3A_185 = tpu.vector_load %arg6[%get3A_184] {strides = array<i32>} : memref<18432xf32, #tpu.memory_space<vmem>>, vector<16xf32>,
        %get3A_186 = vector.shape_cast %get3A_185 : vector<16xf32> to vector<16xf32>
        %mul3A_187 = arith.constant 1.280000e+02 : f32
        %mul3A_188 = vector.broadcast %mul3A_187 : f32 to vector<16xf32>
        %mul3A_189 = arith.mulf %get3A_186, %mul3A_188 : vector<16xf32>
        %convert_element_type3A_190 = arith.fptosi %mul3A_189 : vector<16xf32> to vector<16xi32>
        %jit3A_191 = arith.constant 0 : i32
        %jit3A_192 = arith.constant 127 : i32
        %max3A_193 = vector.broadcast %jit3A_191 : i32 to vector<16xi32>
        %max3A_194 = arith.maxsi %max3A_193, %convert_element_type3A_190 : vector<16xi32>
        %min3A_195 = vector.broadcast %jit3A_192 : i32 to vector<16xi32>
        %min3A_196 = arith.minsi %min3A_195, %max3A_194 : vector<16xi32>
        %add3A_197 = arith.constant 12928 : i32
        %add3A_198 = arith.addi %add3A_197, %add3A_181 : i32
        %get3A_199 = arith.index_cast %add3A_198 : i32 to index
        %get3A_200 = tpu.vector_load %arg7[%get3A_199] {strides = array<i32>} : memref<18432xi32, #tpu.memory_space<vmem>>, vector<16xi32>,
        %get3A_201 = vector.shape_cast %get3A_200 : vector<16xi32> to vector<16xi32>
        %add3A_202 = arith.addi %get3A_201, %min3A_196 : vector<16xi32>
        %swap3A_203 = arith.index_cast %add3A_181 : i32 to index
        %swap3A_204 = tpu.vector_load %arg10[%swap3A_203] {strides = array<i32>} : memref<5504xi32, #tpu.memory_space<vmem>>, vector<16xi32>,
        %swap3A_205 = vector.shape_cast %swap3A_204 : vector<16xi32> to vector<16xi32>
        %swap3A_206 = vector.shape_cast %add3A_202 : vector<16xi32> to vector<16xi32>
        tpu.vector_store %arg10[%swap3A_203], %swap3A_206 {strides = array<i32>} : memref<5504xi32, #tpu.memory_space<vmem>>, vector<16xi32>,
        %mul3A_207 = arith.constant 128 : i32
        %mul3A_208 = arith.muli %scan3A_65, %mul3A_207 : i32
        %add3A_209 = arith.constant 80 : i32
        %add3A_210 = arith.addi %mul3A_208, %add3A_209 : i32
        %add3A_211 = arith.constant 12928 : i32
        %add3A_212 = arith.addi %add3A_211, %add3A_210 : i32
        %get3A_213 = arith.index_cast %add3A_212 : i32 to index
        %get3A_214 = tpu.vector_load %arg6[%get3A_213] {strides = array<i32>} : memref<18432xf32, #tpu.memory_space<vmem>>, vector<16xf32>,
        %get3A_215 = vector.shape_cast %get3A_214 : vector<16xf32> to vector<16xf32>
        %mul3A_216 = arith.constant 1.280000e+02 : f32
        %mul3A_217 = vector.broadcast %mul3A_216 : f32 to vector<16xf32>
        %mul3A_218 = arith.mulf %get3A_215, %mul3A_217 : vector<16xf32>
        %convert_element_type3A_219 = arith.fptosi %mul3A_218 : vector<16xf32> to vector<16xi32>
        %jit3A_220 = arith.constant 0 : i32
        %jit3A_221 = arith.constant 127 : i32
        %max3A_222 = vector.broadcast %jit3A_220 : i32 to vector<16xi32>
        %max3A_223 = arith.maxsi %max3A_222, %convert_element_type3A_219 : vector<16xi32>
        %min3A_224 = vector.broadcast %jit3A_221 : i32 to vector<16xi32>
        %min3A_225 = arith.minsi %min3A_224, %max3A_223 : vector<16xi32>
        %add3A_226 = arith.constant 12928 : i32
        %add3A_227 = arith.addi %add3A_226, %add3A_210 : i32
        %get3A_228 = arith.index_cast %add3A_227 : i32 to index
        %get3A_229 = tpu.vector_load %arg7[%get3A_228] {strides = array<i32>} : memref<18432xi32, #tpu.memory_space<vmem>>, vector<16xi32>,
        %get3A_230 = vector.shape_cast %get3A_229 : vector<16xi32> to vector<16xi32>
        %add3A_231 = arith.addi %get3A_230, %min3A_225 : vector<16xi32>
        %swap3A_232 = arith.index_cast %add3A_210 : i32 to index
        %swap3A_233 = tpu.vector_load %arg10[%swap3A_232] {strides = array<i32>} : memref<5504xi32, #tpu.memory_space<vmem>>, vector<16xi32>,
        %swap3A_234 = vector.shape_cast %swap3A_233 : vector<16xi32> to vector<16xi32>
        %swap3A_235 = vector.shape_cast %add3A_231 : vector<16xi32> to vector<16xi32>
        tpu.vector_store %arg10[%swap3A_232], %swap3A_235 {strides = array<i32>} : memref<5504xi32, #tpu.memory_space<vmem>>, vector<16xi32>,
        %mul3A_236 = arith.constant 128 : i32
        %mul3A_237 = arith.muli %scan3A_65, %mul3A_236 : i32
        %add3A_238 = arith.constant 96 : i32
        %add3A_239 = arith.addi %mul3A_237, %add3A_238 : i32
        %add3A_240 = arith.constant 12928 : i32
        %add3A_241 = arith.addi %add3A_240, %add3A_239 : i32
        %get3A_242 = arith.index_cast %add3A_241 : i32 to index
        %get3A_243 = tpu.vector_load %arg6[%get3A_242] {strides = array<i32>} : memref<18432xf32, #tpu.memory_space<vmem>>, vector<16xf32>,
        %get3A_244 = vector.shape_cast %get3A_243 : vector<16xf32> to vector<16xf32>
        %mul3A_245 = arith.constant 1.280000e+02 : f32
        %mul3A_246 = vector.broadcast %mul3A_245 : f32 to vector<16xf32>
        %mul3A_247 = arith.mulf %get3A_244, %mul3A_246 : vector<16xf32>
        %convert_element_type3A_248 = arith.fptosi %mul3A_247 : vector<16xf32> to vector<16xi32>
        %jit3A_249 = arith.constant 0 : i32
        %jit3A_250 = arith.constant 127 : i32
        %max3A_251 = vector.broadcast %jit3A_249 : i32 to vector<16xi32>
        %max3A_252 = arith.maxsi %max3A_251, %convert_element_type3A_248 : vector<16xi32>
        %min3A_253 = vector.broadcast %jit3A_250 : i32 to vector<16xi32>
        %min3A_254 = arith.minsi %min3A_253, %max3A_252 : vector<16xi32>
        %add3A_255 = arith.constant 12928 : i32
        %add3A_256 = arith.addi %add3A_255, %add3A_239 : i32
        %get3A_257 = arith.index_cast %add3A_256 : i32 to index
        %get3A_258 = tpu.vector_load %arg7[%get3A_257] {strides = array<i32>} : memref<18432xi32, #tpu.memory_space<vmem>>, vector<16xi32>,
        %get3A_259 = vector.shape_cast %get3A_258 : vector<16xi32> to vector<16xi32>
        %add3A_260 = arith.addi %get3A_259, %min3A_254 : vector<16xi32>
        %swap3A_261 = arith.index_cast %add3A_239 : i32 to index
        %swap3A_262 = tpu.vector_load %arg10[%swap3A_261] {strides = array<i32>} : memref<5504xi32, #tpu.memory_space<vmem>>, vector<16xi32>,
        %swap3A_263 = vector.shape_cast %swap3A_262 : vector<16xi32> to vector<16xi32>
        %swap3A_264 = vector.shape_cast %add3A_260 : vector<16xi32> to vector<16xi32>
        tpu.vector_store %arg10[%swap3A_261], %swap3A_264 {strides = array<i32>} : memref<5504xi32, #tpu.memory_space<vmem>>, vector<16xi32>,
        %mul3A_265 = arith.constant 128 : i32
        %mul3A_266 = arith.muli %scan3A_65, %mul3A_265 : i32
        %add3A_267 = arith.constant 112 : i32
        %add3A_268 = arith.addi %mul3A_266, %add3A_267 : i32
        %add3A_269 = arith.constant 12928 : i32
        %add3A_270 = arith.addi %add3A_269, %add3A_268 : i32
        %get3A_271 = arith.index_cast %add3A_270 : i32 to index
        %get3A_272 = tpu.vector_load %arg6[%get3A_271] {strides = array<i32>} : memref<18432xf32, #tpu.memory_space<vmem>>, vector<16xf32>,
        %get3A_273 = vector.shape_cast %get3A_272 : vector<16xf32> to vector<16xf32>
        %mul3A_274 = arith.constant 1.280000e+02 : f32
        %mul3A_275 = vector.broadcast %mul3A_274 : f32 to vector<16xf32>
        %mul3A_276 = arith.mulf %get3A_273, %mul3A_275 : vector<16xf32>
        %convert_element_type3A_277 = arith.fptosi %mul3A_276 : vector<16xf32> to vector<16xi32>
        %jit3A_278 = arith.constant 0 : i32
        %jit3A_279 = arith.constant 127 : i32
        %max3A_280 = vector.broadcast %jit3A_278 : i32 to vector<16xi32>
        %max3A_281 = arith.maxsi %max3A_280, %convert_element_type3A_277 : vector<16xi32>
        %min3A_282 = vector.broadcast %jit3A_279 : i32 to vector<16xi32>
        %min3A_283 = arith.minsi %min3A_282, %max3A_281 : vector<16xi32>
        %add3A_284 = arith.constant 12928 : i32
        %add3A_285 = arith.addi %add3A_284, %add3A_268 : i32
        %get3A_286 = arith.index_cast %add3A_285 : i32 to index
        %get3A_287 = tpu.vector_load %arg7[%get3A_286] {strides = array<i32>} : memref<18432xi32, #tpu.memory_space<vmem>>, vector<16xi32>,
        %get3A_288 = vector.shape_cast %get3A_287 : vector<16xi32> to vector<16xi32>
        %add3A_289 = arith.addi %get3A_288, %min3A_283 : vector<16xi32>
        %swap3A_290 = arith.index_cast %add3A_268 : i32 to index
        %swap3A_291 = tpu.vector_load %arg10[%swap3A_290] {strides = array<i32>} : memref<5504xi32, #tpu.memory_space<vmem>>, vector<16xi32>,
        %swap3A_292 = vector.shape_cast %swap3A_291 : vector<16xi32> to vector<16xi32>
        %swap3A_293 = vector.shape_cast %add3A_289 : vector<16xi32> to vector<16xi32>
        tpu.vector_store %arg10[%swap3A_290], %swap3A_293 {strides = array<i32>} : memref<5504xi32, #tpu.memory_space<vmem>>, vector<16xi32>,
      }
      %scan3A_62 = arith.constant 43 : i32
      %dma_start3A_63 = arith.constant 0 : i32
      %dma_start3A_64 = tpu.memref_slice %arg4[%dma_start3A_63] : memref<6400000xf32, #tpu.memory_space<hbm>> -> memref<6400000xf32, #tpu.memory_space<hbm>>
      tpu.enqueue_indirect_dma source(%dma_start3A_64 : memref<6400000xf32, #tpu.memory_space<hbm>>) target(%arg13 : memref<5504xf32, #tpu.memory_space<vmem>>) offsets(%arg10 : memref<5504xi32, #tpu.memory_space<vmem>>) semaphore(%arg15 : memref<!tpu.dma_semaphore, #tpu.memory_space<semaphore_mem>>)
    } else {
    }
    %dma_wait3A_32 = arith.constant 0 : i32
    %dma_wait3A_33 = tpu.memref_slice %arg4[%dma_wait3A_32] : memref<6400000xf32, #tpu.memory_space<hbm>> -> memref<6400000xf32, #tpu.memory_space<hbm>>
    tpu.wait_indirect_dma semaphore(%arg15 : memref<!tpu.dma_semaphore, #tpu.memory_space<semaphore_mem>>) src(%dma_wait3A_33 : memref<6400000xf32, #tpu.memory_space<hbm>>) dst(%arg11 : memref<6400xf32, #tpu.memory_space<vmem>>)
    %broadcast_in_dim3A = arith.constant 0.000000e+00 : f32
    %broadcast_in_dim3A_34 = vector.broadcast %broadcast_in_dim3A : f32 to vector<16xf32>
    %scan3A_35 = arith.constant 0 : i32
    %scan3A_36 = arith.constant 50 : i32
    %scan3A_37 = arith.addi %scan3A_35, %scan3A_36 : i32
    %scan3A_38 = arith.constant 1 : i32
    %scan3A_39 = scf.for %scan3A_57 = %scan3A_35 to %scan3A_37 step %scan3A_38 iter_args(%scan3A_58 = %broadcast_in_dim3A_34) -> (vector<16xf32>)  : i32 {
      %mul3A_59 = arith.constant 128 : i32
      %mul3A_60 = arith.muli %scan3A_57, %mul3A_59 : i32
      %add3A_61 = arith.constant 0 : i32
      %add3A_62 = arith.addi %mul3A_60, %add3A_61 : i32
      %get3A = arith.index_cast %add3A_62 : i32 to index
      %get3A_63 = tpu.vector_load %arg11[%get3A] {strides = array<i32>} : memref<6400xf32, #tpu.memory_space<vmem>>, vector<16xf32>,
      %get3A_64 = vector.shape_cast %get3A_63 : vector<16xf32> to vector<16xf32>
      %add3A_65 = arith.addf %scan3A_58, %get3A_64 : vector<16xf32>
      %mul3A_66 = arith.constant 128 : i32
      %mul3A_67 = arith.muli %scan3A_57, %mul3A_66 : i32
      %add3A_68 = arith.constant 16 : i32
      %add3A_69 = arith.addi %mul3A_67, %add3A_68 : i32
      %get3A_70 = arith.index_cast %add3A_69 : i32 to index
      %get3A_71 = tpu.vector_load %arg11[%get3A_70] {strides = array<i32>} : memref<6400xf32, #tpu.memory_space<vmem>>, vector<16xf32>,
      %get3A_72 = vector.shape_cast %get3A_71 : vector<16xf32> to vector<16xf32>
      %add3A_73 = arith.addf %add3A_65, %get3A_72 : vector<16xf32>
      %mul3A_74 = arith.constant 128 : i32
      %mul3A_75 = arith.muli %scan3A_57, %mul3A_74 : i32
      %add3A_76 = arith.constant 32 : i32
      %add3A_77 = arith.addi %mul3A_75, %add3A_76 : i32
      %get3A_78 = arith.index_cast %add3A_77 : i32 to index
      %get3A_79 = tpu.vector_load %arg11[%get3A_78] {strides = array<i32>} : memref<6400xf32, #tpu.memory_space<vmem>>, vector<16xf32>,
      %get3A_80 = vector.shape_cast %get3A_79 : vector<16xf32> to vector<16xf32>
      %add3A_81 = arith.addf %add3A_73, %get3A_80 : vector<16xf32>
      %mul3A_82 = arith.constant 128 : i32
      %mul3A_83 = arith.muli %scan3A_57, %mul3A_82 : i32
      %add3A_84 = arith.constant 48 : i32
      %add3A_85 = arith.addi %mul3A_83, %add3A_84 : i32
      %get3A_86 = arith.index_cast %add3A_85 : i32 to index
      %get3A_87 = tpu.vector_load %arg11[%get3A_86] {strides = array<i32>} : memref<6400xf32, #tpu.memory_space<vmem>>, vector<16xf32>,
      %get3A_88 = vector.shape_cast %get3A_87 : vector<16xf32> to vector<16xf32>
      %add3A_89 = arith.addf %add3A_81, %get3A_88 : vector<16xf32>
      %mul3A_90 = arith.constant 128 : i32
      %mul3A_91 = arith.muli %scan3A_57, %mul3A_90 : i32
      %add3A_92 = arith.constant 64 : i32
      %add3A_93 = arith.addi %mul3A_91, %add3A_92 : i32
      %get3A_94 = arith.index_cast %add3A_93 : i32 to index
      %get3A_95 = tpu.vector_load %arg11[%get3A_94] {strides = array<i32>} : memref<6400xf32, #tpu.memory_space<vmem>>, vector<16xf32>,
      %get3A_96 = vector.shape_cast %get3A_95 : vector<16xf32> to vector<16xf32>
      %add3A_97 = arith.addf %add3A_89, %get3A_96 : vector<16xf32>
      %mul3A_98 = arith.constant 128 : i32
      %mul3A_99 = arith.muli %scan3A_57, %mul3A_98 : i32
      %add3A_100 = arith.constant 80 : i32
      %add3A_101 = arith.addi %mul3A_99, %add3A_100 : i32
      %get3A_102 = arith.index_cast %add3A_101 : i32 to index
      %get3A_103 = tpu.vector_load %arg11[%get3A_102] {strides = array<i32>} : memref<6400xf32, #tpu.memory_space<vmem>>, vector<16xf32>,
      %get3A_104 = vector.shape_cast %get3A_103 : vector<16xf32> to vector<16xf32>
      %add3A_105 = arith.addf %add3A_97, %get3A_104 : vector<16xf32>
      %mul3A_106 = arith.constant 128 : i32
      %mul3A_107 = arith.muli %scan3A_57, %mul3A_106 : i32
      %add3A_108 = arith.constant 96 : i32
      %add3A_109 = arith.addi %mul3A_107, %add3A_108 : i32
      %get3A_110 = arith.index_cast %add3A_109 : i32 to index
      %get3A_111 = tpu.vector_load %arg11[%get3A_110] {strides = array<i32>} : memref<6400xf32, #tpu.memory_space<vmem>>, vector<16xf32>,
      %get3A_112 = vector.shape_cast %get3A_111 : vector<16xf32> to vector<16xf32>
      %add3A_113 = arith.addf %add3A_105, %get3A_112 : vector<16xf32>
      %mul3A_114 = arith.constant 128 : i32
      %mul3A_115 = arith.muli %scan3A_57, %mul3A_114 : i32
      %add3A_116 = arith.constant 112 : i32
      %add3A_117 = arith.addi %mul3A_115, %add3A_116 : i32
      %get3A_118 = arith.index_cast %add3A_117 : i32 to index
      %get3A_119 = tpu.vector_load %arg11[%get3A_118] {strides = array<i32>} : memref<6400xf32, #tpu.memory_space<vmem>>, vector<16xf32>,
      %get3A_120 = vector.shape_cast %get3A_119 : vector<16xf32> to vector<16xf32>
      %add3A_121 = arith.addf %add3A_113, %get3A_120 : vector<16xf32>
      scf.yield %add3A_121 : vector<16xf32>
    }
    %scan3A_40 = arith.constant 50 : i32
    %dma_wait3A_41 = arith.constant 0 : i32
    %dma_wait3A_42 = tpu.memref_slice %arg4[%dma_wait3A_41] : memref<6400000xf32, #tpu.memory_space<hbm>> -> memref<6400000xf32, #tpu.memory_space<hbm>>
    tpu.wait_indirect_dma semaphore(%arg15 : memref<!tpu.dma_semaphore, #tpu.memory_space<semaphore_mem>>) src(%dma_wait3A_42 : memref<6400000xf32, #tpu.memory_space<hbm>>) dst(%arg12 : memref<6528xf32, #tpu.memory_space<vmem>>)
    %scan3A_43 = arith.constant 0 : i32
    %scan3A_44 = arith.constant 51 : i32
    %scan3A_45 = arith.addi %scan3A_43, %scan3A_44 : i32
    %scan3A_46 = arith.constant 1 : i32
    %scan3A_47 = scf.for %scan3A_57 = %scan3A_43 to %scan3A_45 step %scan3A_46 iter_args(%scan3A_58 = %scan3A_39) -> (vector<16xf32>)  : i32 {
      %mul3A_59 = arith.constant 128 : i32
      %mul3A_60 = arith.muli %scan3A_57, %mul3A_59 : i32
      %add3A_61 = arith.constant 0 : i32
      %add3A_62 = arith.addi %mul3A_60, %add3A_61 : i32
      %get3A = arith.index_cast %add3A_62 : i32 to index
      %get3A_63 = tpu.vector_load %arg12[%get3A] {strides = array<i32>} : memref<6528xf32, #tpu.memory_space<vmem>>, vector<16xf32>,
      %get3A_64 = vector.shape_cast %get3A_63 : vector<16xf32> to vector<16xf32>
      %add3A_65 = arith.addf %scan3A_58, %get3A_64 : vector<16xf32>
      %mul3A_66 = arith.constant 128 : i32
      %mul3A_67 = arith.muli %scan3A_57, %mul3A_66 : i32
      %add3A_68 = arith.constant 16 : i32
      %add3A_69 = arith.addi %mul3A_67, %add3A_68 : i32
      %get3A_70 = arith.index_cast %add3A_69 : i32 to index
      %get3A_71 = tpu.vector_load %arg12[%get3A_70] {strides = array<i32>} : memref<6528xf32, #tpu.memory_space<vmem>>, vector<16xf32>,
      %get3A_72 = vector.shape_cast %get3A_71 : vector<16xf32> to vector<16xf32>
      %add3A_73 = arith.addf %add3A_65, %get3A_72 : vector<16xf32>
      %mul3A_74 = arith.constant 128 : i32
      %mul3A_75 = arith.muli %scan3A_57, %mul3A_74 : i32
      %add3A_76 = arith.constant 32 : i32
      %add3A_77 = arith.addi %mul3A_75, %add3A_76 : i32
      %get3A_78 = arith.index_cast %add3A_77 : i32 to index
      %get3A_79 = tpu.vector_load %arg12[%get3A_78] {strides = array<i32>} : memref<6528xf32, #tpu.memory_space<vmem>>, vector<16xf32>,
      %get3A_80 = vector.shape_cast %get3A_79 : vector<16xf32> to vector<16xf32>
      %add3A_81 = arith.addf %add3A_73, %get3A_80 : vector<16xf32>
      %mul3A_82 = arith.constant 128 : i32
      %mul3A_83 = arith.muli %scan3A_57, %mul3A_82 : i32
      %add3A_84 = arith.constant 48 : i32
      %add3A_85 = arith.addi %mul3A_83, %add3A_84 : i32
      %get3A_86 = arith.index_cast %add3A_85 : i32 to index
      %get3A_87 = tpu.vector_load %arg12[%get3A_86] {strides = array<i32>} : memref<6528xf32, #tpu.memory_space<vmem>>, vector<16xf32>,
      %get3A_88 = vector.shape_cast %get3A_87 : vector<16xf32> to vector<16xf32>
      %add3A_89 = arith.addf %add3A_81, %get3A_88 : vector<16xf32>
      %mul3A_90 = arith.constant 128 : i32
      %mul3A_91 = arith.muli %scan3A_57, %mul3A_90 : i32
      %add3A_92 = arith.constant 64 : i32
      %add3A_93 = arith.addi %mul3A_91, %add3A_92 : i32
      %get3A_94 = arith.index_cast %add3A_93 : i32 to index
      %get3A_95 = tpu.vector_load %arg12[%get3A_94] {strides = array<i32>} : memref<6528xf32, #tpu.memory_space<vmem>>, vector<16xf32>,
      %get3A_96 = vector.shape_cast %get3A_95 : vector<16xf32> to vector<16xf32>
      %add3A_97 = arith.addf %add3A_89, %get3A_96 : vector<16xf32>
      %mul3A_98 = arith.constant 128 : i32
      %mul3A_99 = arith.muli %scan3A_57, %mul3A_98 : i32
      %add3A_100 = arith.constant 80 : i32
      %add3A_101 = arith.addi %mul3A_99, %add3A_100 : i32
      %get3A_102 = arith.index_cast %add3A_101 : i32 to index
      %get3A_103 = tpu.vector_load %arg12[%get3A_102] {strides = array<i32>} : memref<6528xf32, #tpu.memory_space<vmem>>, vector<16xf32>,
      %get3A_104 = vector.shape_cast %get3A_103 : vector<16xf32> to vector<16xf32>
      %add3A_105 = arith.addf %add3A_97, %get3A_104 : vector<16xf32>
      %mul3A_106 = arith.constant 128 : i32
      %mul3A_107 = arith.muli %scan3A_57, %mul3A_106 : i32
      %add3A_108 = arith.constant 96 : i32
      %add3A_109 = arith.addi %mul3A_107, %add3A_108 : i32
      %get3A_110 = arith.index_cast %add3A_109 : i32 to index
      %get3A_111 = tpu.vector_load %arg12[%get3A_110] {strides = array<i32>} : memref<6528xf32, #tpu.memory_space<vmem>>, vector<16xf32>,
      %get3A_112 = vector.shape_cast %get3A_111 : vector<16xf32> to vector<16xf32>
      %add3A_113 = arith.addf %add3A_105, %get3A_112 : vector<16xf32>
      %mul3A_114 = arith.constant 128 : i32
      %mul3A_115 = arith.muli %scan3A_57, %mul3A_114 : i32
      %add3A_116 = arith.constant 112 : i32
      %add3A_117 = arith.addi %mul3A_115, %add3A_116 : i32
      %get3A_118 = arith.index_cast %add3A_117 : i32 to index
      %get3A_119 = tpu.vector_load %arg12[%get3A_118] {strides = array<i32>} : memref<6528xf32, #tpu.memory_space<vmem>>, vector<16xf32>,
      %get3A_120 = vector.shape_cast %get3A_119 : vector<16xf32> to vector<16xf32>
      %add3A_121 = arith.addf %add3A_113, %get3A_120 : vector<16xf32>
      scf.yield %add3A_121 : vector<16xf32>
    }
    %scan3A_48 = arith.constant 51 : i32
    %swap3A = arith.constant 0 : index
    %swap3A_49 = tpu.vector_load %arg14[%swap3A] {strides = array<i32>} : memref<16xf32, #tpu.memory_space<vmem>>, vector<16xf32>,
    %swap3A_50 = vector.shape_cast %swap3A_49 : vector<16xf32> to vector<16xf32>
    %swap3A_51 = vector.shape_cast %scan3A_47 : vector<16xf32> to vector<16xf32>
    tpu.vector_store %arg14[%swap3A], %swap3A_51 {strides = array<i32>} : memref<16xf32, #tpu.memory_space<vmem>>, vector<16xf32>,
    %eq3A_52 = arith.constant 0 : i32
    %eq3A_53 = arith.cmpi eq, %arg0, %eq3A_52 : i32
    %convert_element_type3A_54 = arith.extui %eq3A_53 : i1 to i32
    %cond3A_55 = arith.constant 0 : i32
    %cond3A_56 = arith.cmpi ne, %convert_element_type3A_54, %cond3A_55 : i32
    scf.if %cond3A_56 {
      %dma_wait3A_57 = arith.constant 0 : i32
      %dma_wait3A_58 = tpu.memref_slice %arg4[%dma_wait3A_57] : memref<6400000xf32, #tpu.memory_space<hbm>> -> memref<5504xf32, #tpu.memory_space<hbm>>
      %dma_wait3A_59 = arith.constant 0 : i32
      %dma_wait3A_60 = tpu.memref_slice %arg4[%dma_wait3A_59] : memref<6400000xf32, #tpu.memory_space<hbm>> -> memref<5504xf32, #tpu.memory_space<hbm>>
      tpu.wait_dma2 semaphore(%arg15 : memref<!tpu.dma_semaphore, #tpu.memory_space<semaphore_mem>>) src(%dma_wait3A_60 : memref<5504xf32, #tpu.memory_space<hbm>>) dst(%arg13 : memref<5504xf32, #tpu.memory_space<vmem>>)
      %get3A = arith.constant 0 : index
      %get3A_61 = tpu.vector_load %arg14[%get3A] {strides = array<i32>} : memref<16xf32, #tpu.memory_space<vmem>>, vector<16xf32>,
      %get3A_62 = vector.shape_cast %get3A_61 : vector<16xf32> to vector<16xf32>
      %broadcast_in_dim3A_63 = arith.constant 0.000000e+00 : f32
      %broadcast_in_dim3A_64 = vector.broadcast %broadcast_in_dim3A_63 : f32 to vector<16xf32>
      %scan3A_65 = arith.constant 0 : i32
      %scan3A_66 = arith.constant 43 : i32
      %scan3A_67 = arith.addi %scan3A_65, %scan3A_66 : i32
      %scan3A_68 = arith.constant 1 : i32
      %scan3A_69 = scf.for %scan3A_76 = %scan3A_65 to %scan3A_67 step %scan3A_68 iter_args(%scan3A_77 = %broadcast_in_dim3A_64) -> (vector<16xf32>)  : i32 {
        %mul3A_78 = arith.constant 128 : i32
        %mul3A_79 = arith.muli %scan3A_76, %mul3A_78 : i32
        %add3A_80 = arith.constant 0 : i32
        %add3A_81 = arith.addi %mul3A_79, %add3A_80 : i32
        %get3A_82 = arith.index_cast %add3A_81 : i32 to index
        %get3A_83 = tpu.vector_load %arg13[%get3A_82] {strides = array<i32>} : memref<5504xf32, #tpu.memory_space<vmem>>, vector<16xf32>,
        %get3A_84 = vector.shape_cast %get3A_83 : vector<16xf32> to vector<16xf32>
        %add3A_85 = arith.addf %scan3A_77, %get3A_84 : vector<16xf32>
        %mul3A_86 = arith.constant 128 : i32
        %mul3A_87 = arith.muli %scan3A_76, %mul3A_86 : i32
        %add3A_88 = arith.constant 16 : i32
        %add3A_89 = arith.addi %mul3A_87, %add3A_88 : i32
        %get3A_90 = arith.index_cast %add3A_89 : i32 to index
        %get3A_91 = tpu.vector_load %arg13[%get3A_90] {strides = array<i32>} : memref<5504xf32, #tpu.memory_space<vmem>>, vector<16xf32>,
        %get3A_92 = vector.shape_cast %get3A_91 : vector<16xf32> to vector<16xf32>
        %add3A_93 = arith.addf %add3A_85, %get3A_92 : vector<16xf32>
        %mul3A_94 = arith.constant 128 : i32
        %mul3A_95 = arith.muli %scan3A_76, %mul3A_94 : i32
        %add3A_96 = arith.constant 32 : i32
        %add3A_97 = arith.addi %mul3A_95, %add3A_96 : i32
        %get3A_98 = arith.index_cast %add3A_97 : i32 to index
        %get3A_99 = tpu.vector_load %arg13[%get3A_98] {strides = array<i32>} : memref<5504xf32, #tpu.memory_space<vmem>>, vector<16xf32>,
        %get3A_100 = vector.shape_cast %get3A_99 : vector<16xf32> to vector<16xf32>
        %add3A_101 = arith.addf %add3A_93, %get3A_100 : vector<16xf32>
        %mul3A_102 = arith.constant 128 : i32
        %mul3A_103 = arith.muli %scan3A_76, %mul3A_102 : i32
        %add3A_104 = arith.constant 48 : i32
        %add3A_105 = arith.addi %mul3A_103, %add3A_104 : i32
        %get3A_106 = arith.index_cast %add3A_105 : i32 to index
        %get3A_107 = tpu.vector_load %arg13[%get3A_106] {strides = array<i32>} : memref<5504xf32, #tpu.memory_space<vmem>>, vector<16xf32>,
        %get3A_108 = vector.shape_cast %get3A_107 : vector<16xf32> to vector<16xf32>
        %add3A_109 = arith.addf %add3A_101, %get3A_108 : vector<16xf32>
        %mul3A_110 = arith.constant 128 : i32
        %mul3A_111 = arith.muli %scan3A_76, %mul3A_110 : i32
        %add3A_112 = arith.constant 64 : i32
        %add3A_113 = arith.addi %mul3A_111, %add3A_112 : i32
        %get3A_114 = arith.index_cast %add3A_113 : i32 to index
        %get3A_115 = tpu.vector_load %arg13[%get3A_114] {strides = array<i32>} : memref<5504xf32, #tpu.memory_space<vmem>>, vector<16xf32>,
        %get3A_116 = vector.shape_cast %get3A_115 : vector<16xf32> to vector<16xf32>
        %add3A_117 = arith.addf %add3A_109, %get3A_116 : vector<16xf32>
        %mul3A_118 = arith.constant 128 : i32
        %mul3A_119 = arith.muli %scan3A_76, %mul3A_118 : i32
        %add3A_120 = arith.constant 80 : i32
        %add3A_121 = arith.addi %mul3A_119, %add3A_120 : i32
        %get3A_122 = arith.index_cast %add3A_121 : i32 to index
        %get3A_123 = tpu.vector_load %arg13[%get3A_122] {strides = array<i32>} : memref<5504xf32, #tpu.memory_space<vmem>>, vector<16xf32>,
        %get3A_124 = vector.shape_cast %get3A_123 : vector<16xf32> to vector<16xf32>
        %add3A_125 = arith.addf %add3A_117, %get3A_124 : vector<16xf32>
        %mul3A_126 = arith.constant 128 : i32
        %mul3A_127 = arith.muli %scan3A_76, %mul3A_126 : i32
        %add3A_128 = arith.constant 96 : i32
        %add3A_129 = arith.addi %mul3A_127, %add3A_128 : i32
        %get3A_130 = arith.index_cast %add3A_129 : i32 to index
        %get3A_131 = tpu.vector_load %arg13[%get3A_130] {strides = array<i32>} : memref<5504xf32, #tpu.memory_space<vmem>>, vector<16xf32>,
        %get3A_132 = vector.shape_cast %get3A_131 : vector<16xf32> to vector<16xf32>
        %add3A_133 = arith.addf %add3A_125, %get3A_132 : vector<16xf32>
        %mul3A_134 = arith.constant 128 : i32
        %mul3A_135 = arith.muli %scan3A_76, %mul3A_134 : i32
        %add3A_136 = arith.constant 112 : i32
        %add3A_137 = arith.addi %mul3A_135, %add3A_136 : i32
        %get3A_138 = arith.index_cast %add3A_137 : i32 to index
        %get3A_139 = tpu.vector_load %arg13[%get3A_138] {strides = array<i32>} : memref<5504xf32, #tpu.memory_space<vmem>>, vector<16xf32>,
        %get3A_140 = vector.shape_cast %get3A_139 : vector<16xf32> to vector<16xf32>
        %add3A_141 = arith.addf %add3A_133, %get3A_140 : vector<16xf32>
        scf.yield %add3A_141 : vector<16xf32>
      }
      %scan3A_70 = arith.constant 43 : i32
      %add3A_71 = arith.addf %get3A_62, %scan3A_69 : vector<16xf32>
      %swap3A_72 = arith.constant 0 : index
      %swap3A_73 = tpu.vector_load %arg14[%swap3A_72] {strides = array<i32>} : memref<16xf32, #tpu.memory_space<vmem>>, vector<16xf32>,
      %swap3A_74 = vector.shape_cast %swap3A_73 : vector<16xf32> to vector<16xf32>
      %swap3A_75 = vector.shape_cast %add3A_71 : vector<16xf32> to vector<16xf32>
      tpu.vector_store %arg14[%swap3A_72], %swap3A_75 {strides = array<i32>} : memref<16xf32, #tpu.memory_space<vmem>>, vector<16xf32>,
    } else {
    }
    "tpu.region"() ({
      %run_scoped3A = tpu.sem_alloc : memref<!tpu.dma_semaphore, #tpu.memory_space<semaphore_mem>>
      %dma_start3A_57 = arith.constant 0 : i32
      %dma_start3A_58 = tpu.memref_slice %arg5[%add3A, %dma_start3A_57] : memref<32x16xf32, #tpu.memory_space<hbm>> -> memref<1x16xf32, #tpu.memory_space<hbm>>
      %dma_start3A_59 = tpu.memref_squeeze %dma_start3A_58 : memref<1x16xf32, #tpu.memory_space<hbm>> -> memref<16xf32, #tpu.memory_space<hbm>>
      %dma_start3A_60 = arith.constant 0 : i32
      %dma_start3A_61 = tpu.memref_slice %arg5[%add3A, %dma_start3A_60] : memref<32x16xf32, #tpu.memory_space<hbm>> -> memref<1x16xf32, #tpu.memory_space<hbm>>
      %dma_start3A_62 = tpu.memref_squeeze %dma_start3A_61 : memref<1x16xf32, #tpu.memory_space<hbm>> -> memref<16xf32, #tpu.memory_space<hbm>>
      tpu.enqueue_dma source(%arg14 : memref<16xf32, #tpu.memory_space<vmem>>) target(%dma_start3A_62 : memref<16xf32, #tpu.memory_space<hbm>>) target_semaphore(%run_scoped3A : memref<!tpu.dma_semaphore, #tpu.memory_space<semaphore_mem>>)
      %dma_wait3A_63 = arith.constant 0 : i32
      %dma_wait3A_64 = tpu.memref_slice %arg5[%add3A, %dma_wait3A_63] : memref<32x16xf32, #tpu.memory_space<hbm>> -> memref<1x16xf32, #tpu.memory_space<hbm>>
      %dma_wait3A_65 = tpu.memref_squeeze %dma_wait3A_64 : memref<1x16xf32, #tpu.memory_space<hbm>> -> memref<16xf32, #tpu.memory_space<hbm>>
      %dma_wait3A_66 = arith.constant 0 : i32
      %dma_wait3A_67 = tpu.memref_slice %arg5[%add3A, %dma_wait3A_66] : memref<32x16xf32, #tpu.memory_space<hbm>> -> memref<1x16xf32, #tpu.memory_space<hbm>>
      %dma_wait3A_68 = tpu.memref_squeeze %dma_wait3A_67 : memref<1x16xf32, #tpu.memory_space<hbm>> -> memref<16xf32, #tpu.memory_space<hbm>>
      tpu.wait_dma2 semaphore(%run_scoped3A : memref<!tpu.dma_semaphore, #tpu.memory_space<semaphore_mem>>) src(%arg14 : memref<16xf32, #tpu.memory_space<vmem>>) dst(%dma_wait3A_68 : memref<16xf32, #tpu.memory_space<hbm>>)
      tpu.yield
    }) : () -> ()
    return
  }
}

module attributes {stable_mosaic.version = 14 : i64} {
  func.func @_table_body(%arg0: i32, %arg1: memref<1000x128xf32, #tpu.memory_space<vmem>>, %arg2: memref<10x1000x128xf32, #tpu.memory_space<vmem>>, %arg3: memref<10x1000x128xf32, #tpu.memory_space<vmem>>, %arg4: memref<1x1xf32, #tpu.memory_space<smem>>) attributes {dimension_semantics = [#tpu.dimension_semantics<arbitrary>], iteration_bounds = array<i64: 5>, scalar_prefetch = 0 : i64, scratch_operands = 0 : i64, tpu.core_type = #tpu.core_type<tc>, window_params = [{transform_indices = @transform_0, window_bounds = array<i64: 1000, 128>}, {transform_indices = @transform_1, window_bounds = array<i64: 10, 1000, 128>}, {transform_indices = @transform_2, window_bounds = array<i64: 10, 1000, 128>}, {transform_indices = @transform_3, window_bounds = array<i64: 1, 1>}]} {
    %get3A = arith.constant 0 : index
    %get3A_0 = arith.constant 0 : index
    %get3A_1 = vector.load %arg1[%get3A, %get3A_0] : memref<1000x128xf32, #tpu.memory_space<vmem>>, vector<1000x128xf32>
    %eq3A = arith.constant 0 : i32
    %eq3A_2 = arith.cmpi eq, %arg0, %eq3A : i32
    %convert_element_type3A = arith.extui %eq3A_2 : i1 to i32
    %cond3A = arith.constant 0 : i32
    %cond3A_3 = arith.cmpi ne, %convert_element_type3A, %cond3A : i32
    scf.if %cond3A_3 {
      %swap3A_323 = arith.constant 0.000000e+00 : f32
      %swap3A_324 = arith.constant 0 : index
      %swap3A_325 = arith.constant 0 : index
      %swap3A_326 = memref.load %arg4[%swap3A_324, %swap3A_325] : memref<1x1xf32, #tpu.memory_space<smem>>
      memref.store %swap3A_323, %arg4[%swap3A_324, %swap3A_325] : memref<1x1xf32, #tpu.memory_space<smem>>
    } else {
    }
    %get3A_4 = arith.constant 0 : index
    %get3A_5 = arith.constant 0 : index
    %get3A_6 = arith.constant 0 : index
    %get3A_7 = vector.load %arg2[%get3A_4, %get3A_5, %get3A_6] : memref<10x1000x128xf32, #tpu.memory_space<vmem>>, vector<1x1000x128xf32>
    %get3A_8 = vector.shape_cast %get3A_7 : vector<1x1000x128xf32> to vector<1000x128xf32>
    %add3A = arith.addf %get3A_1, %get3A_8 : vector<1000x128xf32>
    %reduce_max3A = arith.constant dense<0xFF800000> : vector<1000xf32>
    %reduce_max3A_9 = vector.multi_reduction <maximumf>, %add3A, %reduce_max3A [1] : vector<1000x128xf32> to vector<1000xf32>
    %broadcast_in_dim3A = vector.shape_cast %reduce_max3A_9 : vector<1000xf32> to vector<1000x1xf32>
    %sub3A = vector.broadcast %broadcast_in_dim3A : vector<1000x1xf32> to vector<1000x128xf32>
    %sub3A_10 = arith.subf %add3A, %sub3A : vector<1000x128xf32>
    %exp3A = math.exp %sub3A_10 : vector<1000x128xf32>
    %reduce_sum3A = arith.constant dense<0.000000e+00> : vector<1000xf32>
    %reduce_sum3A_11 = vector.multi_reduction <add>, %exp3A, %reduce_sum3A [1] : vector<1000x128xf32> to vector<1000xf32>
    %broadcast_in_dim3A_12 = vector.shape_cast %reduce_sum3A_11 : vector<1000xf32> to vector<1000x1xf32>
    %log3A = math.log %broadcast_in_dim3A_12 : vector<1000x1xf32>
    %add3A_13 = arith.addf %log3A, %broadcast_in_dim3A : vector<1000x1xf32>
    %sub3A_14 = vector.broadcast %add3A_13 : vector<1000x1xf32> to vector<1000x128xf32>
    %sub3A_15 = arith.subf %add3A, %sub3A_14 : vector<1000x128xf32>
    %swap3A = arith.constant 0 : index
    %swap3A_16 = arith.constant 0 : index
    %swap3A_17 = arith.constant 0 : index
    %swap3A_18 = vector.load %arg3[%swap3A, %swap3A_16, %swap3A_17] : memref<10x1000x128xf32, #tpu.memory_space<vmem>>, vector<1x1000x128xf32>
    %swap3A_19 = vector.shape_cast %swap3A_18 : vector<1x1000x128xf32> to vector<1000x128xf32>
    %swap3A_20 = vector.shape_cast %sub3A_15 : vector<1000x128xf32> to vector<1x1000x128xf32>
    tpu.vector_store %arg3[%swap3A, %swap3A_16, %swap3A_17], %swap3A_20 {strides = array<i32>} : memref<10x1000x128xf32, #tpu.memory_space<vmem>>, vector<1x1000x128xf32>,
    %mul3A = arith.mulf %get3A_8, %get3A_8 : vector<1000x128xf32>
    %reduce_sum3A_21 = vector.shape_cast %mul3A : vector<1000x128xf32> to vector<1x1000x128xf32>
    %reduce_sum3A_22 = arith.constant dense<0.000000e+00> : vector<1xf32>
    %reduce_sum3A_23 = vector.multi_reduction <add>, %reduce_sum3A_21, %reduce_sum3A_22 [1, 2] : vector<1x1000x128xf32> to vector<1xf32>
    %reduce_sum3A_24 = vector.shape_cast %reduce_sum3A_23 : vector<1xf32> to vector<1x1x1xf32>
    %reduce_sum3A_25 = vector.extract %reduce_sum3A_24[0, 0, 0] : f32 from vector<1x1x1xf32>
    %add3A_26 = arith.constant 0.000000e+00 : f32
    %add3A_27 = arith.addf %add3A_26, %reduce_sum3A_25 : f32
    %get3A_28 = arith.constant 1 : index
    %get3A_29 = arith.constant 0 : index
    %get3A_30 = arith.constant 0 : index
    %get3A_31 = vector.load %arg2[%get3A_28, %get3A_29, %get3A_30] : memref<10x1000x128xf32, #tpu.memory_space<vmem>>, vector<1x1000x128xf32>
    %get3A_32 = vector.shape_cast %get3A_31 : vector<1x1000x128xf32> to vector<1000x128xf32>
    %add3A_33 = arith.addf %get3A_1, %get3A_32 : vector<1000x128xf32>
    %reduce_max3A_34 = arith.constant dense<0xFF800000> : vector<1000xf32>
    %reduce_max3A_35 = vector.multi_reduction <maximumf>, %add3A_33, %reduce_max3A_34 [1] : vector<1000x128xf32> to vector<1000xf32>
    %broadcast_in_dim3A_36 = vector.shape_cast %reduce_max3A_35 : vector<1000xf32> to vector<1000x1xf32>
    %sub3A_37 = vector.broadcast %broadcast_in_dim3A_36 : vector<1000x1xf32> to vector<1000x128xf32>
    %sub3A_38 = arith.subf %add3A_33, %sub3A_37 : vector<1000x128xf32>
    %exp3A_39 = math.exp %sub3A_38 : vector<1000x128xf32>
    %reduce_sum3A_40 = arith.constant dense<0.000000e+00> : vector<1000xf32>
    %reduce_sum3A_41 = vector.multi_reduction <add>, %exp3A_39, %reduce_sum3A_40 [1] : vector<1000x128xf32> to vector<1000xf32>
    %broadcast_in_dim3A_42 = vector.shape_cast %reduce_sum3A_41 : vector<1000xf32> to vector<1000x1xf32>
    %log3A_43 = math.log %broadcast_in_dim3A_42 : vector<1000x1xf32>
    %add3A_44 = arith.addf %log3A_43, %broadcast_in_dim3A_36 : vector<1000x1xf32>
    %sub3A_45 = vector.broadcast %add3A_44 : vector<1000x1xf32> to vector<1000x128xf32>
    %sub3A_46 = arith.subf %add3A_33, %sub3A_45 : vector<1000x128xf32>
    %swap3A_47 = arith.constant 1 : index
    %swap3A_48 = arith.constant 0 : index
    %swap3A_49 = arith.constant 0 : index
    %swap3A_50 = vector.load %arg3[%swap3A_47, %swap3A_48, %swap3A_49] : memref<10x1000x128xf32, #tpu.memory_space<vmem>>, vector<1x1000x128xf32>
    %swap3A_51 = vector.shape_cast %swap3A_50 : vector<1x1000x128xf32> to vector<1000x128xf32>
    %swap3A_52 = vector.shape_cast %sub3A_46 : vector<1000x128xf32> to vector<1x1000x128xf32>
    tpu.vector_store %arg3[%swap3A_47, %swap3A_48, %swap3A_49], %swap3A_52 {strides = array<i32>} : memref<10x1000x128xf32, #tpu.memory_space<vmem>>, vector<1x1000x128xf32>,
    %mul3A_53 = arith.mulf %get3A_32, %get3A_32 : vector<1000x128xf32>
    %reduce_sum3A_54 = vector.shape_cast %mul3A_53 : vector<1000x128xf32> to vector<1x1000x128xf32>
    %reduce_sum3A_55 = arith.constant dense<0.000000e+00> : vector<1xf32>
    %reduce_sum3A_56 = vector.multi_reduction <add>, %reduce_sum3A_54, %reduce_sum3A_55 [1, 2] : vector<1x1000x128xf32> to vector<1xf32>
    %reduce_sum3A_57 = vector.shape_cast %reduce_sum3A_56 : vector<1xf32> to vector<1x1x1xf32>
    %reduce_sum3A_58 = vector.extract %reduce_sum3A_57[0, 0, 0] : f32 from vector<1x1x1xf32>
    %add3A_59 = arith.addf %add3A_27, %reduce_sum3A_58 : f32
    %get3A_60 = arith.constant 2 : index
    %get3A_61 = arith.constant 0 : index
    %get3A_62 = arith.constant 0 : index
    %get3A_63 = vector.load %arg2[%get3A_60, %get3A_61, %get3A_62] : memref<10x1000x128xf32, #tpu.memory_space<vmem>>, vector<1x1000x128xf32>
    %get3A_64 = vector.shape_cast %get3A_63 : vector<1x1000x128xf32> to vector<1000x128xf32>
    %add3A_65 = arith.addf %get3A_1, %get3A_64 : vector<1000x128xf32>
    %reduce_max3A_66 = arith.constant dense<0xFF800000> : vector<1000xf32>
    %reduce_max3A_67 = vector.multi_reduction <maximumf>, %add3A_65, %reduce_max3A_66 [1] : vector<1000x128xf32> to vector<1000xf32>
    %broadcast_in_dim3A_68 = vector.shape_cast %reduce_max3A_67 : vector<1000xf32> to vector<1000x1xf32>
    %sub3A_69 = vector.broadcast %broadcast_in_dim3A_68 : vector<1000x1xf32> to vector<1000x128xf32>
    %sub3A_70 = arith.subf %add3A_65, %sub3A_69 : vector<1000x128xf32>
    %exp3A_71 = math.exp %sub3A_70 : vector<1000x128xf32>
    %reduce_sum3A_72 = arith.constant dense<0.000000e+00> : vector<1000xf32>
    %reduce_sum3A_73 = vector.multi_reduction <add>, %exp3A_71, %reduce_sum3A_72 [1] : vector<1000x128xf32> to vector<1000xf32>
    %broadcast_in_dim3A_74 = vector.shape_cast %reduce_sum3A_73 : vector<1000xf32> to vector<1000x1xf32>
    %log3A_75 = math.log %broadcast_in_dim3A_74 : vector<1000x1xf32>
    %add3A_76 = arith.addf %log3A_75, %broadcast_in_dim3A_68 : vector<1000x1xf32>
    %sub3A_77 = vector.broadcast %add3A_76 : vector<1000x1xf32> to vector<1000x128xf32>
    %sub3A_78 = arith.subf %add3A_65, %sub3A_77 : vector<1000x128xf32>
    %swap3A_79 = arith.constant 2 : index
    %swap3A_80 = arith.constant 0 : index
    %swap3A_81 = arith.constant 0 : index
    %swap3A_82 = vector.load %arg3[%swap3A_79, %swap3A_80, %swap3A_81] : memref<10x1000x128xf32, #tpu.memory_space<vmem>>, vector<1x1000x128xf32>
    %swap3A_83 = vector.shape_cast %swap3A_82 : vector<1x1000x128xf32> to vector<1000x128xf32>
    %swap3A_84 = vector.shape_cast %sub3A_78 : vector<1000x128xf32> to vector<1x1000x128xf32>
    tpu.vector_store %arg3[%swap3A_79, %swap3A_80, %swap3A_81], %swap3A_84 {strides = array<i32>} : memref<10x1000x128xf32, #tpu.memory_space<vmem>>, vector<1x1000x128xf32>,
    %mul3A_85 = arith.mulf %get3A_64, %get3A_64 : vector<1000x128xf32>
    %reduce_sum3A_86 = vector.shape_cast %mul3A_85 : vector<1000x128xf32> to vector<1x1000x128xf32>
    %reduce_sum3A_87 = arith.constant dense<0.000000e+00> : vector<1xf32>
    %reduce_sum3A_88 = vector.multi_reduction <add>, %reduce_sum3A_86, %reduce_sum3A_87 [1, 2] : vector<1x1000x128xf32> to vector<1xf32>
    %reduce_sum3A_89 = vector.shape_cast %reduce_sum3A_88 : vector<1xf32> to vector<1x1x1xf32>
    %reduce_sum3A_90 = vector.extract %reduce_sum3A_89[0, 0, 0] : f32 from vector<1x1x1xf32>
    %add3A_91 = arith.addf %add3A_59, %reduce_sum3A_90 : f32
    %get3A_92 = arith.constant 3 : index
    %get3A_93 = arith.constant 0 : index
    %get3A_94 = arith.constant 0 : index
    %get3A_95 = vector.load %arg2[%get3A_92, %get3A_93, %get3A_94] : memref<10x1000x128xf32, #tpu.memory_space<vmem>>, vector<1x1000x128xf32>
    %get3A_96 = vector.shape_cast %get3A_95 : vector<1x1000x128xf32> to vector<1000x128xf32>
    %add3A_97 = arith.addf %get3A_1, %get3A_96 : vector<1000x128xf32>
    %reduce_max3A_98 = arith.constant dense<0xFF800000> : vector<1000xf32>
    %reduce_max3A_99 = vector.multi_reduction <maximumf>, %add3A_97, %reduce_max3A_98 [1] : vector<1000x128xf32> to vector<1000xf32>
    %broadcast_in_dim3A_100 = vector.shape_cast %reduce_max3A_99 : vector<1000xf32> to vector<1000x1xf32>
    %sub3A_101 = vector.broadcast %broadcast_in_dim3A_100 : vector<1000x1xf32> to vector<1000x128xf32>
    %sub3A_102 = arith.subf %add3A_97, %sub3A_101 : vector<1000x128xf32>
    %exp3A_103 = math.exp %sub3A_102 : vector<1000x128xf32>
    %reduce_sum3A_104 = arith.constant dense<0.000000e+00> : vector<1000xf32>
    %reduce_sum3A_105 = vector.multi_reduction <add>, %exp3A_103, %reduce_sum3A_104 [1] : vector<1000x128xf32> to vector<1000xf32>
    %broadcast_in_dim3A_106 = vector.shape_cast %reduce_sum3A_105 : vector<1000xf32> to vector<1000x1xf32>
    %log3A_107 = math.log %broadcast_in_dim3A_106 : vector<1000x1xf32>
    %add3A_108 = arith.addf %log3A_107, %broadcast_in_dim3A_100 : vector<1000x1xf32>
    %sub3A_109 = vector.broadcast %add3A_108 : vector<1000x1xf32> to vector<1000x128xf32>
    %sub3A_110 = arith.subf %add3A_97, %sub3A_109 : vector<1000x128xf32>
    %swap3A_111 = arith.constant 3 : index
    %swap3A_112 = arith.constant 0 : index
    %swap3A_113 = arith.constant 0 : index
    %swap3A_114 = vector.load %arg3[%swap3A_111, %swap3A_112, %swap3A_113] : memref<10x1000x128xf32, #tpu.memory_space<vmem>>, vector<1x1000x128xf32>
    %swap3A_115 = vector.shape_cast %swap3A_114 : vector<1x1000x128xf32> to vector<1000x128xf32>
    %swap3A_116 = vector.shape_cast %sub3A_110 : vector<1000x128xf32> to vector<1x1000x128xf32>
    tpu.vector_store %arg3[%swap3A_111, %swap3A_112, %swap3A_113], %swap3A_116 {strides = array<i32>} : memref<10x1000x128xf32, #tpu.memory_space<vmem>>, vector<1x1000x128xf32>,
    %mul3A_117 = arith.mulf %get3A_96, %get3A_96 : vector<1000x128xf32>
    %reduce_sum3A_118 = vector.shape_cast %mul3A_117 : vector<1000x128xf32> to vector<1x1000x128xf32>
    %reduce_sum3A_119 = arith.constant dense<0.000000e+00> : vector<1xf32>
    %reduce_sum3A_120 = vector.multi_reduction <add>, %reduce_sum3A_118, %reduce_sum3A_119 [1, 2] : vector<1x1000x128xf32> to vector<1xf32>
    %reduce_sum3A_121 = vector.shape_cast %reduce_sum3A_120 : vector<1xf32> to vector<1x1x1xf32>
    %reduce_sum3A_122 = vector.extract %reduce_sum3A_121[0, 0, 0] : f32 from vector<1x1x1xf32>
    %add3A_123 = arith.addf %add3A_91, %reduce_sum3A_122 : f32
    %get3A_124 = arith.constant 4 : index
    %get3A_125 = arith.constant 0 : index
    %get3A_126 = arith.constant 0 : index
    %get3A_127 = vector.load %arg2[%get3A_124, %get3A_125, %get3A_126] : memref<10x1000x128xf32, #tpu.memory_space<vmem>>, vector<1x1000x128xf32>
    %get3A_128 = vector.shape_cast %get3A_127 : vector<1x1000x128xf32> to vector<1000x128xf32>
    %add3A_129 = arith.addf %get3A_1, %get3A_128 : vector<1000x128xf32>
    %reduce_max3A_130 = arith.constant dense<0xFF800000> : vector<1000xf32>
    %reduce_max3A_131 = vector.multi_reduction <maximumf>, %add3A_129, %reduce_max3A_130 [1] : vector<1000x128xf32> to vector<1000xf32>
    %broadcast_in_dim3A_132 = vector.shape_cast %reduce_max3A_131 : vector<1000xf32> to vector<1000x1xf32>
    %sub3A_133 = vector.broadcast %broadcast_in_dim3A_132 : vector<1000x1xf32> to vector<1000x128xf32>
    %sub3A_134 = arith.subf %add3A_129, %sub3A_133 : vector<1000x128xf32>
    %exp3A_135 = math.exp %sub3A_134 : vector<1000x128xf32>
    %reduce_sum3A_136 = arith.constant dense<0.000000e+00> : vector<1000xf32>
    %reduce_sum3A_137 = vector.multi_reduction <add>, %exp3A_135, %reduce_sum3A_136 [1] : vector<1000x128xf32> to vector<1000xf32>
    %broadcast_in_dim3A_138 = vector.shape_cast %reduce_sum3A_137 : vector<1000xf32> to vector<1000x1xf32>
    %log3A_139 = math.log %broadcast_in_dim3A_138 : vector<1000x1xf32>
    %add3A_140 = arith.addf %log3A_139, %broadcast_in_dim3A_132 : vector<1000x1xf32>
    %sub3A_141 = vector.broadcast %add3A_140 : vector<1000x1xf32> to vector<1000x128xf32>
    %sub3A_142 = arith.subf %add3A_129, %sub3A_141 : vector<1000x128xf32>
    %swap3A_143 = arith.constant 4 : index
    %swap3A_144 = arith.constant 0 : index
    %swap3A_145 = arith.constant 0 : index
    %swap3A_146 = vector.load %arg3[%swap3A_143, %swap3A_144, %swap3A_145] : memref<10x1000x128xf32, #tpu.memory_space<vmem>>, vector<1x1000x128xf32>
    %swap3A_147 = vector.shape_cast %swap3A_146 : vector<1x1000x128xf32> to vector<1000x128xf32>
    %swap3A_148 = vector.shape_cast %sub3A_142 : vector<1000x128xf32> to vector<1x1000x128xf32>
    tpu.vector_store %arg3[%swap3A_143, %swap3A_144, %swap3A_145], %swap3A_148 {strides = array<i32>} : memref<10x1000x128xf32, #tpu.memory_space<vmem>>, vector<1x1000x128xf32>,
    %mul3A_149 = arith.mulf %get3A_128, %get3A_128 : vector<1000x128xf32>
    %reduce_sum3A_150 = vector.shape_cast %mul3A_149 : vector<1000x128xf32> to vector<1x1000x128xf32>
    %reduce_sum3A_151 = arith.constant dense<0.000000e+00> : vector<1xf32>
    %reduce_sum3A_152 = vector.multi_reduction <add>, %reduce_sum3A_150, %reduce_sum3A_151 [1, 2] : vector<1x1000x128xf32> to vector<1xf32>
    %reduce_sum3A_153 = vector.shape_cast %reduce_sum3A_152 : vector<1xf32> to vector<1x1x1xf32>
    %reduce_sum3A_154 = vector.extract %reduce_sum3A_153[0, 0, 0] : f32 from vector<1x1x1xf32>
    %add3A_155 = arith.addf %add3A_123, %reduce_sum3A_154 : f32
    %get3A_156 = arith.constant 5 : index
    %get3A_157 = arith.constant 0 : index
    %get3A_158 = arith.constant 0 : index
    %get3A_159 = vector.load %arg2[%get3A_156, %get3A_157, %get3A_158] : memref<10x1000x128xf32, #tpu.memory_space<vmem>>, vector<1x1000x128xf32>
    %get3A_160 = vector.shape_cast %get3A_159 : vector<1x1000x128xf32> to vector<1000x128xf32>
    %add3A_161 = arith.addf %get3A_1, %get3A_160 : vector<1000x128xf32>
    %reduce_max3A_162 = arith.constant dense<0xFF800000> : vector<1000xf32>
    %reduce_max3A_163 = vector.multi_reduction <maximumf>, %add3A_161, %reduce_max3A_162 [1] : vector<1000x128xf32> to vector<1000xf32>
    %broadcast_in_dim3A_164 = vector.shape_cast %reduce_max3A_163 : vector<1000xf32> to vector<1000x1xf32>
    %sub3A_165 = vector.broadcast %broadcast_in_dim3A_164 : vector<1000x1xf32> to vector<1000x128xf32>
    %sub3A_166 = arith.subf %add3A_161, %sub3A_165 : vector<1000x128xf32>
    %exp3A_167 = math.exp %sub3A_166 : vector<1000x128xf32>
    %reduce_sum3A_168 = arith.constant dense<0.000000e+00> : vector<1000xf32>
    %reduce_sum3A_169 = vector.multi_reduction <add>, %exp3A_167, %reduce_sum3A_168 [1] : vector<1000x128xf32> to vector<1000xf32>
    %broadcast_in_dim3A_170 = vector.shape_cast %reduce_sum3A_169 : vector<1000xf32> to vector<1000x1xf32>
    %log3A_171 = math.log %broadcast_in_dim3A_170 : vector<1000x1xf32>
    %add3A_172 = arith.addf %log3A_171, %broadcast_in_dim3A_164 : vector<1000x1xf32>
    %sub3A_173 = vector.broadcast %add3A_172 : vector<1000x1xf32> to vector<1000x128xf32>
    %sub3A_174 = arith.subf %add3A_161, %sub3A_173 : vector<1000x128xf32>
    %swap3A_175 = arith.constant 5 : index
    %swap3A_176 = arith.constant 0 : index
    %swap3A_177 = arith.constant 0 : index
    %swap3A_178 = vector.load %arg3[%swap3A_175, %swap3A_176, %swap3A_177] : memref<10x1000x128xf32, #tpu.memory_space<vmem>>, vector<1x1000x128xf32>
    %swap3A_179 = vector.shape_cast %swap3A_178 : vector<1x1000x128xf32> to vector<1000x128xf32>
    %swap3A_180 = vector.shape_cast %sub3A_174 : vector<1000x128xf32> to vector<1x1000x128xf32>
    tpu.vector_store %arg3[%swap3A_175, %swap3A_176, %swap3A_177], %swap3A_180 {strides = array<i32>} : memref<10x1000x128xf32, #tpu.memory_space<vmem>>, vector<1x1000x128xf32>,
    %mul3A_181 = arith.mulf %get3A_160, %get3A_160 : vector<1000x128xf32>
    %reduce_sum3A_182 = vector.shape_cast %mul3A_181 : vector<1000x128xf32> to vector<1x1000x128xf32>
    %reduce_sum3A_183 = arith.constant dense<0.000000e+00> : vector<1xf32>
    %reduce_sum3A_184 = vector.multi_reduction <add>, %reduce_sum3A_182, %reduce_sum3A_183 [1, 2] : vector<1x1000x128xf32> to vector<1xf32>
    %reduce_sum3A_185 = vector.shape_cast %reduce_sum3A_184 : vector<1xf32> to vector<1x1x1xf32>
    %reduce_sum3A_186 = vector.extract %reduce_sum3A_185[0, 0, 0] : f32 from vector<1x1x1xf32>
    %add3A_187 = arith.addf %add3A_155, %reduce_sum3A_186 : f32
    %get3A_188 = arith.constant 6 : index
    %get3A_189 = arith.constant 0 : index
    %get3A_190 = arith.constant 0 : index
    %get3A_191 = vector.load %arg2[%get3A_188, %get3A_189, %get3A_190] : memref<10x1000x128xf32, #tpu.memory_space<vmem>>, vector<1x1000x128xf32>
    %get3A_192 = vector.shape_cast %get3A_191 : vector<1x1000x128xf32> to vector<1000x128xf32>
    %add3A_193 = arith.addf %get3A_1, %get3A_192 : vector<1000x128xf32>
    %reduce_max3A_194 = arith.constant dense<0xFF800000> : vector<1000xf32>
    %reduce_max3A_195 = vector.multi_reduction <maximumf>, %add3A_193, %reduce_max3A_194 [1] : vector<1000x128xf32> to vector<1000xf32>
    %broadcast_in_dim3A_196 = vector.shape_cast %reduce_max3A_195 : vector<1000xf32> to vector<1000x1xf32>
    %sub3A_197 = vector.broadcast %broadcast_in_dim3A_196 : vector<1000x1xf32> to vector<1000x128xf32>
    %sub3A_198 = arith.subf %add3A_193, %sub3A_197 : vector<1000x128xf32>
    %exp3A_199 = math.exp %sub3A_198 : vector<1000x128xf32>
    %reduce_sum3A_200 = arith.constant dense<0.000000e+00> : vector<1000xf32>
    %reduce_sum3A_201 = vector.multi_reduction <add>, %exp3A_199, %reduce_sum3A_200 [1] : vector<1000x128xf32> to vector<1000xf32>
    %broadcast_in_dim3A_202 = vector.shape_cast %reduce_sum3A_201 : vector<1000xf32> to vector<1000x1xf32>
    %log3A_203 = math.log %broadcast_in_dim3A_202 : vector<1000x1xf32>
    %add3A_204 = arith.addf %log3A_203, %broadcast_in_dim3A_196 : vector<1000x1xf32>
    %sub3A_205 = vector.broadcast %add3A_204 : vector<1000x1xf32> to vector<1000x128xf32>
    %sub3A_206 = arith.subf %add3A_193, %sub3A_205 : vector<1000x128xf32>
    %swap3A_207 = arith.constant 6 : index
    %swap3A_208 = arith.constant 0 : index
    %swap3A_209 = arith.constant 0 : index
    %swap3A_210 = vector.load %arg3[%swap3A_207, %swap3A_208, %swap3A_209] : memref<10x1000x128xf32, #tpu.memory_space<vmem>>, vector<1x1000x128xf32>
    %swap3A_211 = vector.shape_cast %swap3A_210 : vector<1x1000x128xf32> to vector<1000x128xf32>
    %swap3A_212 = vector.shape_cast %sub3A_206 : vector<1000x128xf32> to vector<1x1000x128xf32>
    tpu.vector_store %arg3[%swap3A_207, %swap3A_208, %swap3A_209], %swap3A_212 {strides = array<i32>} : memref<10x1000x128xf32, #tpu.memory_space<vmem>>, vector<1x1000x128xf32>,
    %mul3A_213 = arith.mulf %get3A_192, %get3A_192 : vector<1000x128xf32>
    %reduce_sum3A_214 = vector.shape_cast %mul3A_213 : vector<1000x128xf32> to vector<1x1000x128xf32>
    %reduce_sum3A_215 = arith.constant dense<0.000000e+00> : vector<1xf32>
    %reduce_sum3A_216 = vector.multi_reduction <add>, %reduce_sum3A_214, %reduce_sum3A_215 [1, 2] : vector<1x1000x128xf32> to vector<1xf32>
    %reduce_sum3A_217 = vector.shape_cast %reduce_sum3A_216 : vector<1xf32> to vector<1x1x1xf32>
    %reduce_sum3A_218 = vector.extract %reduce_sum3A_217[0, 0, 0] : f32 from vector<1x1x1xf32>
    %add3A_219 = arith.addf %add3A_187, %reduce_sum3A_218 : f32
    %get3A_220 = arith.constant 7 : index
    %get3A_221 = arith.constant 0 : index
    %get3A_222 = arith.constant 0 : index
    %get3A_223 = vector.load %arg2[%get3A_220, %get3A_221, %get3A_222] : memref<10x1000x128xf32, #tpu.memory_space<vmem>>, vector<1x1000x128xf32>
    %get3A_224 = vector.shape_cast %get3A_223 : vector<1x1000x128xf32> to vector<1000x128xf32>
    %add3A_225 = arith.addf %get3A_1, %get3A_224 : vector<1000x128xf32>
    %reduce_max3A_226 = arith.constant dense<0xFF800000> : vector<1000xf32>
    %reduce_max3A_227 = vector.multi_reduction <maximumf>, %add3A_225, %reduce_max3A_226 [1] : vector<1000x128xf32> to vector<1000xf32>
    %broadcast_in_dim3A_228 = vector.shape_cast %reduce_max3A_227 : vector<1000xf32> to vector<1000x1xf32>
    %sub3A_229 = vector.broadcast %broadcast_in_dim3A_228 : vector<1000x1xf32> to vector<1000x128xf32>
    %sub3A_230 = arith.subf %add3A_225, %sub3A_229 : vector<1000x128xf32>
    %exp3A_231 = math.exp %sub3A_230 : vector<1000x128xf32>
    %reduce_sum3A_232 = arith.constant dense<0.000000e+00> : vector<1000xf32>
    %reduce_sum3A_233 = vector.multi_reduction <add>, %exp3A_231, %reduce_sum3A_232 [1] : vector<1000x128xf32> to vector<1000xf32>
    %broadcast_in_dim3A_234 = vector.shape_cast %reduce_sum3A_233 : vector<1000xf32> to vector<1000x1xf32>
    %log3A_235 = math.log %broadcast_in_dim3A_234 : vector<1000x1xf32>
    %add3A_236 = arith.addf %log3A_235, %broadcast_in_dim3A_228 : vector<1000x1xf32>
    %sub3A_237 = vector.broadcast %add3A_236 : vector<1000x1xf32> to vector<1000x128xf32>
    %sub3A_238 = arith.subf %add3A_225, %sub3A_237 : vector<1000x128xf32>
    %swap3A_239 = arith.constant 7 : index
    %swap3A_240 = arith.constant 0 : index
    %swap3A_241 = arith.constant 0 : index
    %swap3A_242 = vector.load %arg3[%swap3A_239, %swap3A_240, %swap3A_241] : memref<10x1000x128xf32, #tpu.memory_space<vmem>>, vector<1x1000x128xf32>
    %swap3A_243 = vector.shape_cast %swap3A_242 : vector<1x1000x128xf32> to vector<1000x128xf32>
    %swap3A_244 = vector.shape_cast %sub3A_238 : vector<1000x128xf32> to vector<1x1000x128xf32>
    tpu.vector_store %arg3[%swap3A_239, %swap3A_240, %swap3A_241], %swap3A_244 {strides = array<i32>} : memref<10x1000x128xf32, #tpu.memory_space<vmem>>, vector<1x1000x128xf32>,
    %mul3A_245 = arith.mulf %get3A_224, %get3A_224 : vector<1000x128xf32>
    %reduce_sum3A_246 = vector.shape_cast %mul3A_245 : vector<1000x128xf32> to vector<1x1000x128xf32>
    %reduce_sum3A_247 = arith.constant dense<0.000000e+00> : vector<1xf32>
    %reduce_sum3A_248 = vector.multi_reduction <add>, %reduce_sum3A_246, %reduce_sum3A_247 [1, 2] : vector<1x1000x128xf32> to vector<1xf32>
    %reduce_sum3A_249 = vector.shape_cast %reduce_sum3A_248 : vector<1xf32> to vector<1x1x1xf32>
    %reduce_sum3A_250 = vector.extract %reduce_sum3A_249[0, 0, 0] : f32 from vector<1x1x1xf32>
    %add3A_251 = arith.addf %add3A_219, %reduce_sum3A_250 : f32
    %get3A_252 = arith.constant 8 : index
    %get3A_253 = arith.constant 0 : index
    %get3A_254 = arith.constant 0 : index
    %get3A_255 = vector.load %arg2[%get3A_252, %get3A_253, %get3A_254] : memref<10x1000x128xf32, #tpu.memory_space<vmem>>, vector<1x1000x128xf32>
    %get3A_256 = vector.shape_cast %get3A_255 : vector<1x1000x128xf32> to vector<1000x128xf32>
    %add3A_257 = arith.addf %get3A_1, %get3A_256 : vector<1000x128xf32>
    %reduce_max3A_258 = arith.constant dense<0xFF800000> : vector<1000xf32>
    %reduce_max3A_259 = vector.multi_reduction <maximumf>, %add3A_257, %reduce_max3A_258 [1] : vector<1000x128xf32> to vector<1000xf32>
    %broadcast_in_dim3A_260 = vector.shape_cast %reduce_max3A_259 : vector<1000xf32> to vector<1000x1xf32>
    %sub3A_261 = vector.broadcast %broadcast_in_dim3A_260 : vector<1000x1xf32> to vector<1000x128xf32>
    %sub3A_262 = arith.subf %add3A_257, %sub3A_261 : vector<1000x128xf32>
    %exp3A_263 = math.exp %sub3A_262 : vector<1000x128xf32>
    %reduce_sum3A_264 = arith.constant dense<0.000000e+00> : vector<1000xf32>
    %reduce_sum3A_265 = vector.multi_reduction <add>, %exp3A_263, %reduce_sum3A_264 [1] : vector<1000x128xf32> to vector<1000xf32>
    %broadcast_in_dim3A_266 = vector.shape_cast %reduce_sum3A_265 : vector<1000xf32> to vector<1000x1xf32>
    %log3A_267 = math.log %broadcast_in_dim3A_266 : vector<1000x1xf32>
    %add3A_268 = arith.addf %log3A_267, %broadcast_in_dim3A_260 : vector<1000x1xf32>
    %sub3A_269 = vector.broadcast %add3A_268 : vector<1000x1xf32> to vector<1000x128xf32>
    %sub3A_270 = arith.subf %add3A_257, %sub3A_269 : vector<1000x128xf32>
    %swap3A_271 = arith.constant 8 : index
    %swap3A_272 = arith.constant 0 : index
    %swap3A_273 = arith.constant 0 : index
    %swap3A_274 = vector.load %arg3[%swap3A_271, %swap3A_272, %swap3A_273] : memref<10x1000x128xf32, #tpu.memory_space<vmem>>, vector<1x1000x128xf32>
    %swap3A_275 = vector.shape_cast %swap3A_274 : vector<1x1000x128xf32> to vector<1000x128xf32>
    %swap3A_276 = vector.shape_cast %sub3A_270 : vector<1000x128xf32> to vector<1x1000x128xf32>
    tpu.vector_store %arg3[%swap3A_271, %swap3A_272, %swap3A_273], %swap3A_276 {strides = array<i32>} : memref<10x1000x128xf32, #tpu.memory_space<vmem>>, vector<1x1000x128xf32>,
    %mul3A_277 = arith.mulf %get3A_256, %get3A_256 : vector<1000x128xf32>
    %reduce_sum3A_278 = vector.shape_cast %mul3A_277 : vector<1000x128xf32> to vector<1x1000x128xf32>
    %reduce_sum3A_279 = arith.constant dense<0.000000e+00> : vector<1xf32>
    %reduce_sum3A_280 = vector.multi_reduction <add>, %reduce_sum3A_278, %reduce_sum3A_279 [1, 2] : vector<1x1000x128xf32> to vector<1xf32>
    %reduce_sum3A_281 = vector.shape_cast %reduce_sum3A_280 : vector<1xf32> to vector<1x1x1xf32>
    %reduce_sum3A_282 = vector.extract %reduce_sum3A_281[0, 0, 0] : f32 from vector<1x1x1xf32>
    %add3A_283 = arith.addf %add3A_251, %reduce_sum3A_282 : f32
    %get3A_284 = arith.constant 9 : index
    %get3A_285 = arith.constant 0 : index
    %get3A_286 = arith.constant 0 : index
    %get3A_287 = vector.load %arg2[%get3A_284, %get3A_285, %get3A_286] : memref<10x1000x128xf32, #tpu.memory_space<vmem>>, vector<1x1000x128xf32>
    %get3A_288 = vector.shape_cast %get3A_287 : vector<1x1000x128xf32> to vector<1000x128xf32>
    %add3A_289 = arith.addf %get3A_1, %get3A_288 : vector<1000x128xf32>
    %reduce_max3A_290 = arith.constant dense<0xFF800000> : vector<1000xf32>
    %reduce_max3A_291 = vector.multi_reduction <maximumf>, %add3A_289, %reduce_max3A_290 [1] : vector<1000x128xf32> to vector<1000xf32>
    %broadcast_in_dim3A_292 = vector.shape_cast %reduce_max3A_291 : vector<1000xf32> to vector<1000x1xf32>
    %sub3A_293 = vector.broadcast %broadcast_in_dim3A_292 : vector<1000x1xf32> to vector<1000x128xf32>
    %sub3A_294 = arith.subf %add3A_289, %sub3A_293 : vector<1000x128xf32>
    %exp3A_295 = math.exp %sub3A_294 : vector<1000x128xf32>
    %reduce_sum3A_296 = arith.constant dense<0.000000e+00> : vector<1000xf32>
    %reduce_sum3A_297 = vector.multi_reduction <add>, %exp3A_295, %reduce_sum3A_296 [1] : vector<1000x128xf32> to vector<1000xf32>
    %broadcast_in_dim3A_298 = vector.shape_cast %reduce_sum3A_297 : vector<1000xf32> to vector<1000x1xf32>
    %log3A_299 = math.log %broadcast_in_dim3A_298 : vector<1000x1xf32>
    %add3A_300 = arith.addf %log3A_299, %broadcast_in_dim3A_292 : vector<1000x1xf32>
    %sub3A_301 = vector.broadcast %add3A_300 : vector<1000x1xf32> to vector<1000x128xf32>
    %sub3A_302 = arith.subf %add3A_289, %sub3A_301 : vector<1000x128xf32>
    %swap3A_303 = arith.constant 9 : index
    %swap3A_304 = arith.constant 0 : index
    %swap3A_305 = arith.constant 0 : index
    %swap3A_306 = vector.load %arg3[%swap3A_303, %swap3A_304, %swap3A_305] : memref<10x1000x128xf32, #tpu.memory_space<vmem>>, vector<1x1000x128xf32>
    %swap3A_307 = vector.shape_cast %swap3A_306 : vector<1x1000x128xf32> to vector<1000x128xf32>
    %swap3A_308 = vector.shape_cast %sub3A_302 : vector<1000x128xf32> to vector<1x1000x128xf32>
    tpu.vector_store %arg3[%swap3A_303, %swap3A_304, %swap3A_305], %swap3A_308 {strides = array<i32>} : memref<10x1000x128xf32, #tpu.memory_space<vmem>>, vector<1x1000x128xf32>,
    %mul3A_309 = arith.mulf %get3A_288, %get3A_288 : vector<1000x128xf32>
    %reduce_sum3A_310 = vector.shape_cast %mul3A_309 : vector<1000x128xf32> to vector<1x1000x128xf32>
    %reduce_sum3A_311 = arith.constant dense<0.000000e+00> : vector<1xf32>
    %reduce_sum3A_312 = vector.multi_reduction <add>, %reduce_sum3A_310, %reduce_sum3A_311 [1, 2] : vector<1x1000x128xf32> to vector<1xf32>
    %reduce_sum3A_313 = vector.shape_cast %reduce_sum3A_312 : vector<1xf32> to vector<1x1x1xf32>
    %reduce_sum3A_314 = vector.extract %reduce_sum3A_313[0, 0, 0] : f32 from vector<1x1x1xf32>
    %add3A_315 = arith.addf %add3A_283, %reduce_sum3A_314 : f32
    %get3A_316 = arith.constant 0 : index
    %get3A_317 = arith.constant 0 : index
    %get3A_318 = memref.load %arg4[%get3A_316, %get3A_317] : memref<1x1xf32, #tpu.memory_space<smem>>
    %add3A_319 = arith.addf %get3A_318, %add3A_315 : f32
    %swap3A_320 = arith.constant 0 : index
    %swap3A_321 = arith.constant 0 : index
    %swap3A_322 = memref.load %arg4[%swap3A_320, %swap3A_321] : memref<1x1xf32, #tpu.memory_space<smem>>
    memref.store %add3A_319, %arg4[%swap3A_320, %swap3A_321] : memref<1x1xf32, #tpu.memory_space<smem>>
    return
  }
  func.func @transform_0(%arg0: i32) -> (i32, i32) {
    %c0_i32 = arith.constant 0 : i32
    %c0_i32_0 = arith.constant 0 : i32
    return %arg0, %c0_i32 : i32, i32
  }
  func.func @transform_1(%arg0: i32) -> (i32, i32, i32) {
    %c0_i32 = arith.constant 0 : i32
    %c0_i32_0 = arith.constant 0 : i32
    %c0_i32_1 = arith.constant 0 : i32
    return %c0_i32, %arg0, %c0_i32_0 : i32, i32, i32
  }
  func.func @transform_2(%arg0: i32) -> (i32, i32, i32) {
    %c0_i32 = arith.constant 0 : i32
    %c0_i32_0 = arith.constant 0 : i32
    %c0_i32_1 = arith.constant 0 : i32
    return %c0_i32, %arg0, %c0_i32_0 : i32, i32, i32
  }
  func.func @transform_3(%arg0: i32) -> (i32, i32) {
    %c0_i32 = arith.constant 0 : i32
    %c0_i32_0 = arith.constant 0 : i32
    %c0_i32_1 = arith.constant 0 : i32
    return %c0_i32, %c0_i32_0 : i32, i32
  }
}

</mosaic_0001>

<sc_bundles>
// kernel: kernel.4.cloned.1.call-start
scs
__scs_entry_jumppad:
0x0: {  	(pc) =	sbr.rel $0x88, $3  }
0x1: {  	(tag) =	ssettag $0x0;
	lr =	simm.s32 $0x1  }
0x2: {  	[smem:$0x3F9B] =	sst lr;
	_ =	strace $0xD0000000  }
0x3: {  	_ = 	snop  }
0x4: {  	_ = 	snop  }
0x5: {  	_ = 	snop  }
0x6: {  	_ = 	snop  }
0x7: {  	_ = 	snop  }
__scs_overlays_trampoline_lowered:
0x8: {  	[smem:$0x3FAA] =	sst s0  }
0x9: {  	[smem:$0x3FAB] =	sst s1  }
0xa: {  	[smem:$0x3FAC] =	sst s2  }
0xb: {  	[smem:$0x3FAD] =	sst s3  }
0xc: {  	[smem:$0x3FAE] =	sst s4  }
0xd: {  	[smem:$0x3FAF] =	sst s5  }
0xe: {  	[smem:$0x3FB0] =	sst s6  }
0xf: {  	[smem:$0x3FB1] =	sst s7  }
0x10: {  	[smem:$0x3FB2] =	sst s8  }
0x11: {  	[smem:$0x3FB3] =	sst s9;
	s0 =	simm.s32 @!p0 $0x0  }
0x12: {  	s1 =	sld [smem:$0x3F99];
	s0 =	simm.s32 @p0 $0x1  }
0x13: {  	[smem:$0x3FB4] =	sst s0;
	s0 =	simm.s32 @!p1 $0x0  }
0x14: {  	s2 =	sld [smem:$0x3F98];
	s0 =	simm.s32 @p1 $0x1  }
0x15: {  	[smem:$0x3FB5] =	sst s0;
	s0 =	simm.s32 @!p2 $0x0  }
0x16: {  	s3 =	sld [smem:$0x3FDB];
	s0 =	simm.s32 @p2 $0x1  }
0x17: {  	s4 =	simm.s32 $0x1BF5;
	[smem:$0x3FB7] =	sst s0  }
0x18: {  	s0 =	sld [smem:$0x3F9A];
	_ =	swait.ge [sflag:s4], $0x0  }
0x19: {  	s7 =	sld [smem:$0x3F9B]  }
0x1a: {  	s8 =	sadd.s32 $0xFFFFE003, lr  }
0x1b: {  	s9 =	sadd.s32 $0xFFFFFEF7, lr;
	s5 =	simm.s32 $0xFFFFFFFF;
	p2 =	slt.u32 s8, $0xFFFFF086  }
0x1c: {  	p1 =	slt.u32 s9, $0xF7A;
	s5 =	simm.s32 @!p2 $0x0  }
0x1d: {  	s5 =	simm.s32 @p1 $0x1;
	p0 =	seq.s32 s7, s2  }
0x1e: {  	s7 =	smul.u32 @!p0 $0xF7A, s2;
	p2 =	seq.s32 @!p0 s5, $0x0  }
0x1f: {  	s9 =	smul.u32 $0xF7A, s1;
	s8 =	simm.s32 @!p0 $0x1BF5;
	p2 =	por !p2, p0  }
0x20: {  	[sflag:s8] =	ssyncset.s32 @!p0 $0xFFFFF086;
	s6 =	sadd.s32 @!p0 s3, s7;
	s7 =	simm.s32 @!p0 $0x108  }
0x21: {  	s3 =	sadd.s32 s3, s9;
	s6 =	sadd.s32 @!p0 $0x88, s6;
	s7 =	simm.s32 @p2 $0x1082  }
0x22: {  	[simem:s7], [sflag:s8] =	dma.local @!p0 [hbm:s6], $0xF7A  }
0x23: {  	s9 =	sor.u32 $0xD0000000, s2;
	s6 =	simm.s32 $0x108;
	_ =	swait.ge @!p0 [sflag:s8], $0x0  }
0x24: {  	s3 =	sadd.s32 $0x88, s3;
	s6 =	simm.s32 @!p1 $0x1082;
	[sflag:s4] =	ssyncset.s32 $0xFFFFF086  }
0x25: {  	[simem:s6], [sflag:s4] =	dma.local [hbm:s3], $0xF7A  }
0x26: {  	[smem:$0x3F9B] =	sst s1;
	(tag) =	ssettag s2;
	_ =	strace s9  }
0x27: {  	s1 =	sld [smem:$0x3FAB]  }
0x28: {  	s2 =	sld [smem:$0x3FAC]  }
0x29: {  	s4 =	sld [smem:$0x3FAE]  }
0x2a: {  	p0 =	seq.s32 s5, $0x0;
	s5 =	sld [smem:$0x3FAF]  }
0x2b: {  	s6 =	sld [smem:$0x3FB0]  }
0x2c: {  	s7 =	sld [smem:$0x3FB1]  }
0x2d: {  	s3 =	simm.s32 $0x108;
	s8 =	sld [smem:$0x3FB2]  }
0x2e: {  	s3 =	simm.s32 @!p0 $0x1082;
	s9 =	sld [smem:$0x3FB3]  }
0x2f: {  	lr =	sadd.s32 s0, s3;
	s0 =	sld [smem:$0x3FAA]  }
0x30: {  	s3 =	sld [smem:$0x3FAD]  }
0x31: {  	[smem:$0x3FB6] =	sst s10  }
0x32: {  	s10 =	sld [smem:$0x3FB4];
	_ =	sdelay $0x3  }
0x33: {  	p0 =	seq.s32 s10, $0x1;
	s10 =	sld [smem:$0x3FB6];
	_ =	sdelay $0x3  }
0x34: {  	[smem:$0x3FB6] =	sst s10  }
0x35: {  	s10 =	sld [smem:$0x3FB5];
	_ =	sdelay $0x3  }
0x36: {  	p1 =	seq.s32 s10, $0x1;
	s10 =	sld [smem:$0x3FB6];
	_ =	sdelay $0x3  }
0x37: {  	[smem:$0x3FB6] =	sst s10  }
0x38: {  	s10 =	sld [smem:$0x3FB7]  }
0x39: {  	_ = 	snop;
	(pc) =	sbr.ind lr, $3  }
0x3a: {  	_ = 	snop  }
0x3b: {  	_ = 	snop  }
0x3c: {  	p2 =	seq.s32 s10, $0x1;
	s10 =	sld [smem:$0x3FB6]  }
0x3d: {  	_ =	shalt  }
0x3e: {  	_ =	shalt  }
0x3f: {  	_ =	shalt  }
0x40: {  	_ =	shalt  }
0x41: {  	_ =	shalt  }
0x42: {  	_ =	shalt  }
0x43: {  	_ =	shalt  }
0x44: {  	_ =	shalt  }
0x45: {  	_ =	shalt  }
0x46: {  	_ =	shalt  }
0x47: {  	_ =	shalt  }
0x48: {  	_ =	shalt  }
0x49: {  	_ =	shalt  }
0x4a: {  	_ =	shalt  }
0x4b: {  	_ =	shalt  }
0x4c: {  	_ =	shalt  }
0x4d: {  	_ =	shalt  }
0x4e: {  	_ =	shalt  }
0x4f: {  	_ =	shalt  }
0x50: {  	_ =	shalt  }
0x51: {  	_ =	shalt  }
0x52: {  	_ =	shalt  }
0x53: {  	_ =	shalt  }
0x54: {  	_ =	shalt  }
0x55: {  	_ =	shalt  }
0x56: {  	_ =	shalt  }
0x57: {  	_ =	shalt  }
0x58: {  	_ =	shalt  }
0x59: {  	_ =	shalt  }
0x5a: {  	_ =	shalt  }
0x5b: {  	_ =	shalt  }
0x5c: {  	_ =	shalt  }
0x5d: {  	_ =	shalt  }
0x5e: {  	_ =	shalt  }
0x5f: {  	_ =	shalt  }
0x60: {  	_ =	shalt  }
0x61: {  	_ =	shalt  }
0x62: {  	_ =	shalt  }
0x63: {  	_ =	shalt  }
0x64: {  	_ =	shalt  }
0x65: {  	_ =	shalt  }
0x66: {  	_ =	shalt  }
0x67: {  	_ =	shalt  }
0x68: {  	_ =	shalt  }
0x69: {  	_ =	shalt  }
0x6a: {  	_ =	shalt  }
0x6b: {  	_ =	shalt  }
0x6c: {  	_ =	shalt  }
0x6d: {  	_ =	shalt  }
0x6e: {  	_ =	shalt  }
0x6f: {  	_ =	shalt  }
0x70: {  	_ =	shalt  }
0x71: {  	_ =	shalt  }
0x72: {  	_ =	shalt  }
0x73: {  	_ =	shalt  }
0x74: {  	_ =	shalt  }
0x75: {  	_ =	shalt  }
0x76: {  	_ =	shalt  }
0x77: {  	_ =	shalt  }
0x78: {  	_ =	shalt  }
0x79: {  	_ =	shalt  }
0x7a: {  	_ =	shalt  }
0x7b: {  	_ =	shalt  }
0x7c: {  	_ =	shalt  }
0x7d: {  	_ =	shalt  }
0x7e: {  	_ =	shalt  }
0x7f: {  	_ =	shalt  }
0x80: {  	_ =	shalt  }
0x81: {  	_ =	shalt  }
0x82: {  	_ =	shalt  }
0x83: {  	_ =	shalt  }
0x84: {  	_ =	shalt  }
0x85: {  	_ =	shalt  }
0x86: {  	_ =	shalt  }
0x87: {  	_ =	shalt  }
.Lfunc_end0:
.L_simem_size_0:
called_computation_lowered:
.L_overlay_start_0:
0x88: {  	s2 =	sld [smem:$0x3FD9]  }
0x89: {  	s3 =	sld [smem:$0x3FFE];
	_ =	sdelay $0x1  }
0x8a: {  	s1 =	srdreg.scid  }
0x8b: {  	s0 =	sand.u32 $0x1, s1  }
0x8c: {  	s16 =	sshll.u32 s0, $0xA;
	s2 =	sadd.s32 s3, s2  }
0x8d: {  	s2 =	sadd.s32 s2, s16  }
0x8e: {  	[smem:$0x3FC2] =	sst s2  }
0x8f: {  	_ = 	snop  }
0x90: {  	(tm) =	ssettm $0x1  }
0x91: {  	s17 =	sld [smem:$0x3FFB];
	_ =	sdelay $0x3  }
0x92: {  	_ =	strace s17  }
0x93: {  	s2 =	sld [smem:$0x3FFC];
	_ =	sdelay $0x3  }
0x94: {  	_ =	strace s2  }
0x95: {  	s2 =	sld [smem:$0x3FFD];
	_ =	sdelay $0x3  }
0x96: {  	_ =	strace s2  }
0x97: {  	_ =	strace $0x8FFFFFFF  }
0x98: {  	s18 =	sld [smem:$0x3FDB];
	_ =	sdelay $0x1  }
0x99: {  	s19 =	simm.s32 $_scs_section_size  }
0x9a: {  	s4 =	simm.s32 $_size__tile_overlayer_lowered;
	s5 =	simm.s32 $_tile_overlayer_lowered  }
0x9b: {  	s22 =	simm.s32 $0x1BFF;
	s21 =	sshll.u32 s5, $0x1;
	s2 =	sadd.s32 s19, s18  }
0x9c: {  	s6 =	simm.s32 $0x0;
	s20 =	sshll.u32 s4, $0x1;
	s4 =	sadd.s32 s21, s2  }
0x9d: {  	[timem:s6], [sflag:s22] =	dma.local [hbm:s4], s20  }
0x9e: {  	_ =	swait.ge [sflag:s22], s20  }
0x9f: {  	s3 =	ssub.s32 $0x0, s20;
	[sflag:s22] =	ssyncset.done $0x0  }
0xa0: {  	[sflag:s22] =	ssyncadd.s32 s3;
	_ =	sdelay $0x1  }
0xa1: {  	s23 =	simm.s32 $0x1B8B  }
0xa2: {  	_ =	swait.ge [sflag:s23], $0x1  }
0xa3: {  	[sflag:s23] =	ssyncset.done $0x0  }
0xa4: {  	s25 =	simm.s32 $0x1B8E;
	s24 =	sld [smem:$0x3FFE];
	[sflag:s23] =	ssyncadd.s32 $0xFFFFFFFF  }
0xa5: {  	s26 =	simm.s32 $execute0_lowered;
	[smem:$0x3FD2] =	sst s25  }
0xa6: {  	s4 =	sshll.u32 s26, $0x1;
	_ =	strace $0x80000046;
	[dreg:$0x1] =	wrdreg $0xFFFFFFFF  }
0xa7: {  	s28 =	simm.s32 $_size_execute0_lowered;
	s2 =	sadd.s32 s2, s4;
	[dreg:$0x0] =	wrdreg $0x0  }
0xa8: {  	s4 =	sshll.u32 s28, $0x1;
	[dreg:$0x2] =	wrdreg s2  }
0xa9: {  	[dreg:$0x3] =	wrdreg s4  }
0xaa: {  	[dreg:$0x4] =	wrdreg $0xC0  }
0xab: {  	_ =	task [dreg:s6], $0x5FFFF  }
0xac: {  	[dreg:$0x1] =	wrdreg $0xFFFFFFFF  }
0xad: {  	[dreg:$0x0] =	wrdreg $0x60  }
0xae: {  	[dreg:$0x2] =	wrdreg s24  }
0xaf: {  	[dreg:$0x3] =	wrdreg $0x9  }
0xb0: {  	_ =	task.clear_ibuf [dreg:s6], $0x4FFFF;
	_ =	strace $0x90000046  }
0xb1: {  	s29 =	simm.s32 $0x9;
	_ =	strace $0x80000048  }
0xb2: {  	_ =	swait.ge [sflag:s29], $0x1  }
0xb3: {  	[sflag:s29] =	ssyncadd.s32 $0xFFFFFFFF  }
0xb4: {  	_ =	strace $0x90000048  }
0xb5: {  	_ =	sfence  }
0xb6: {  	s30 =	sld [smem:$0x0];
	_ =	sdelay $0x2  }
0xb7: {  	s31 =	sshll.u32 s1, $0xD;
	s1 =	sshrl.u32 s1, $0x2  }
0xb8: {  	s3 =	sand.u32 $0x4000, s31;
	s1 =	sadd.s32 s1, s30  }
0xb9: {  	s0 =	sor.u32 s3, s0;
	s1 =	sshll.u32 s1, $0x11  }
0xba: {  	s0 =	sor.u32 s1, s0  }
0xbb: {  	s0 =	sadd.s32 $0x8F2B, s0  }
0xbc: {  	[sflag:s0] =	ssyncadd.remote.s32 $0x1  }
0xbd: {  	_ =	sfence.sel $0xFFFF  }
0xbe: {  	[dreg:$0x0] =	wrdreg $0xFFFFFFFF;
	(pc) =	sbr.abs _section_cstart, $3  }
0xbf: {  	[dreg:$0x1] =	wrdreg $0xFFFFFFFF  }
0xc0: {  	_ =	task.clear_ibuf [dreg:s6], $0x2FFFF;
	_ =	strace $0x9FFFFFFF  }
0xc1: {  	(tm) =	ssettm $0x7FFFFFFF  }
tec
execute0_lowered:
.L_overlay_start_1:
0x0: {  	(tag) =	ssettag $0x1  }
0x1: {  	s0 =	stileid.u32  }
0x2: {  	s1 =	srdreg.scid;
	s4 =	rddreg [dreg:$0x0];
	s9 =	simm.s32 $0x1  }
0x3: {  	s10 =	simm.s32 $0x1900;
	s11 =	simm.s32 $0x9000;
	s12 =	simm.s32 $0xD800  }
0x4: {  	s14 =	simm.s32 $0xA900;
	s15 =	simm.s32 $0xF100;
	s16 =	simm.s32 $0x1580  }
0x5: {  	s17 =	simm.s32 $0xC280;
	s18 =	simm.s32 $0x10A80;
	s19 =	simm.s32 $0x12000  }
0x6: {  	s20 =	simm.s32 $0x2;
	s21 =	simm.s32 $0x0;
	s2 =	smul.u32 $0x3280, s0  }
0x7: {  	s13 =	sand.u32 $0x1, s1;
	s3 =	smul.u32 $0x4800, s0;
	s1 =	rddreg [dreg:$0x1]  }
0x8: {  	s8 =	sshll.u32 s0, $0x5;
	p0 =	seq.s32 s13, $0x0;
	s6 =	sshll.u32 s13, $0x4  }
0x9: {  	s7 =	ssub.s32 $0x2, s13;
	s5 =	sadd.s32 $0x48000, s2;
	s2 =	simm.s32 $0x0  }
0xa: {  	s6 =	sadd.s32 s6, s4;
	s31 =	sshrl.u32 s7, $0x1;
	s5 =	smov.u32 @p0 s3  }
.Ltmp0:
0xb: {  	[smem:$0x7FF] =	sst s2;
	s7 =	ssub.s32 s7, s31;
	(pc) =	sbr.rel .LBB2_1-.Ltmp0, $4  }
0xc: {  	s6 =	sadd.s32 s8, s6;
	s8 =	simm.s32 $0x4800;
	p0 =	sne.s32 s13, $0x0  }
0xd: {  	s13 =	simm.s32 $0x1980;
	s3 =	sshrl.u32 s5, $0x3;
	_ =	strace $0x80000047  }
0xe: {  	s6 =	sadd.s32 $0xE3000, s6;
	s7 =	smax.u32 s7, $0x1;
	s5 =	sadd.s32 s3, s4  }
0xf: {  	s3 =	sadd.s32 $0xA00, s4;
	s4 =	sadd.s32 $0xD3800, s5;
	s5 =	sadd.s32 $0xC4000, s5  }
.LBB2_16:
0x10: {  	v4 =	vld [tilespmem:s22+$0x10A80]  }
0x11: {  	v2 =	vadd.f32 v2, v3  }
0x12: {  	v57 =	vld [tilespmem:s22+$0x10A90]  }
0x13: {  	v1 =	vadd.f32 v1, v2  }
0x14: {  	v58 =	vld [tilespmem:s22+$0x10AA0]  }
0x15: {  	v1 =	vadd.f32 v4, v1  }
0x16: {  	v59 =	vld [tilespmem:s22+$0x10AB0]  }
0x17: {  	v1 =	vadd.f32 v57, v1  }
0x18: {  	v60 =	vld [tilespmem:s22+$0x10AC0]  }
0x19: {  	v1 =	vadd.f32 v58, v1  }
0x1a: {  	v61 =	vld [tilespmem:s22+$0x10AD0]  }
0x1b: {  	v1 =	vadd.f32 v59, v1  }
0x1c: {  	v62 =	vld [tilespmem:s22+$0x10AE0]  }
0x1d: {  	v1 =	vadd.f32 v60, v1  }
0x1e: {  	v63 =	vld [tilespmem:s22+$0x10AF0]  }
0x1f: {  	v1 =	vadd.f32 v61, v1;
	_ =	sdelay $0x1  }
0x20: {  	v1 =	vadd.f32 v62, v1;
	_ =	sdelay $0x1  }
0x21: {  	v1 =	vadd.f32 v63, v1;
	_ =	sdelay $0x1  }
0x22: {  	v0 =	vadd.f32 v1, v0;
	_ =	sdelay $0x1  }
0x23: {  	[tilespmem:$0x12000] =	vst v0  }
.LBB2_17:
0x24: {  	s21 =	sadd.s32 $0x1, s21  }
0x25: {  	p1 =	sne.s32 s21, s7  }
.Ltmp1:
0x26: {  	_ = 	snop;
	(pc) =	sbr.rel @!p1 .LBB2_18-.Ltmp1, $4  }
0x27: {  	[hbm4b:s6+s2] =	stream.linear.scatter [tilespmem:s19], [sflag:$0x2], $0x80, $0x38;
	[tilespmem:$0x12080] =	vst v63  }
0x28: {  	_ =	swait.ge [sflag:s20], $0x80  }
0x29: {  	[sflag:s20] =	ssyncset.done $0x0  }
0x2a: {  	[sflag:s20] =	ssyncadd.s32 $0xFFFFFF80  }
.LBB2_1:
0x2b: {  	[tilespmem:s2], [sflag:$0x1] =	stream.linear.gather [hbm4b:s4+s2], $0x4800, $0x38;
	[tilespmem:$0x12080] =	vst v63  }
0x2c: {  	_ = 	snop  }
0x2d: {  	[tilespmem:s8], [sflag:$0x1] =	stream.linear.gather [hbm4b:s5+s2], $0x4800, $0x38;
	[tilespmem:$0x12080] =	vst v63  }
0x2e: {  	_ =	swait.ge [sflag:s9], $0x4800  }
0x2f: {  	[sflag:s9] =	ssyncset.done $0x0  }
0x30: {  	[sflag:s9] =	ssyncadd.s32 $0xFFFFB800  }
0x31: {  	_ =	swait.ge [sflag:s9], $0x4800  }
0x32: {  	[sflag:s9] =	ssyncset.done $0x0  }
0x33: {  	s22 =	simm.s32 $0x0;
	[sflag:s9] =	ssyncadd.s32 $0xFFFFB800  }
0x34: {  	v0 =	vld [tilespmem:s22+$0x70]  }
0x35: {  	v1 =	vld [tilespmem:s22+$0x0]  }
0x36: {  	v2 =	vld [tilespmem:s22+$0x10]  }
0x37: {  	v3 =	vld [tilespmem:s22+$0x20]  }
0x38: {  	v4 =	vld [tilespmem:s22+$0x30]  }
0x39: {  	v5 =	vld [tilespmem:s22+$0x40];
	_ =	sdelay $0x1  }
0x3a: {  	v6 =	vld [tilespmem:s22+$0x50];
	v0 =	vmul.f32 $1.280000000e+02, v0  }
0x3b: {  	v1 =	vmul.f32 $1.280000000e+02, v1;
	v2 =	vmul.f32 $1.280000000e+02, v2  }
0x3c: {  	v7 =	vld [tilespmem:s22+$0x60];
	v3 =	vmul.f32 $1.280000000e+02, v3;
	v9 =	vmul.f32 $1.280000000e+02, v4  }
0x3d: {  	v11 =	vmul.f32 $1.280000000e+02, v5;
	v0 =	vtrunc.f32 v0  }
0x3e: {  	v8 =	vtrunc.f32 v1;
	v2 =	vtrunc.f32 v2  }
0x3f: {  	v12 =	vtrunc.f32 v3;
	v3 =	vmul.f32 $1.280000000e+02, v6  }
0x40: {  	v10 =	vld [tilespmem:s22+$0x4870];
	v13 =	vtrunc.f32 v9;
	v0 =	vcvt.f32.s32 v0  }
0x41: {  	v4 =	vld [tilespmem:s22+$0x4800];
	v9 =	vmul.f32 $1.280000000e+02, v7;
	v14 =	vtrunc.f32 v11  }
0x42: {  	v5 =	vld [tilespmem:s22+$0x4820];
	v7 =	vcvt.f32.s32 v8;
	v8 =	vcvt.f32.s32 v2;
	vm0 =	vgt.s32 v0, $0x0  }
0x43: {  	v1 =	vld [tilespmem:s22+$0x4810];
	v11 =	vcvt.f32.s32 v13;
	v15 =	vtrunc.f32 v3;
	v0 =	vnsel vm0, $0x0, v0  }
0x44: {  	v6 =	vld [tilespmem:s22+$0x4830];
	v16 =	vtrunc.f32 v9;
	v9 =	vcvt.f32.s32 v12;
	v0 =	vmin.u32 v0, $0x7F  }
0x45: {  	v2 =	vld [tilespmem:s22+$0x4850];
	vm1 =	vgt.s32 v8, $0x0;
	v0 =	vadd.s32 v10, v0;
	v10 =	vcvt.f32.s32 v14  }
0x46: {  	v3 =	vld [tilespmem:s22+$0x4840];
	v12 =	vcvt.f32.s32 v15;
	v13 =	vcvt.f32.s32 v16;
	vm3 =	vgt.s32 v11, $0x0  }
0x47: {  	s23 =	simm.s32 $0x80;
	s24 =	simm.s32 $0x400;
	vm0 =	vgt.s32 v7, $0x0;
	vm4 =	vgt.s32 v9, $0x0;
	[tilespmem:s22+$0x9070] =	vst v0;
	v0 =	vld [tilespmem:s22+$0x4860];
	vm2 =	vgt.s32 v10, $0x0  }
.LBB2_2:
0x48: {  	p1 =	sne.s32 s24, $0x6200;
	v14 =	vld [tilespmem:s23+$0x70];
	v7 =	vnsel vm0, $0x0, v7;
	vm0 =	vgt.s32 v12, $0x0;
	vm5 =	vgt.s32 v13, $0x0  }
0x49: {  	v8 =	vnsel vm1, $0x0, v8;
	v9 =	vnsel vm4, $0x0, v9;
	v11 =	vnsel vm3, $0x0, v11;
	v15 =	vld [tilespmem:s23+$0x0]  }
0x4a: {  	v10 =	vnsel vm2, $0x0, v10;
	v12 =	vnsel vm0, $0x0, v12;
	v13 =	vnsel vm5, $0x0, v13;
	v16 =	vld [tilespmem:s23+$0x10]  }
0x4b: {  	v7 =	vmin.u32 v7, $0x7F;
	v8 =	vmin.u32 v8, $0x7F;
	v9 =	vmin.u32 v9, $0x7F;
	v17 =	vld [tilespmem:s23+$0x20]  }
0x4c: {  	v11 =	vmin.u32 v11, $0x7F;
	v10 =	vmin.u32 v10, $0x7F;
	v12 =	vmin.u32 v12, $0x7F;
	v18 =	vld [tilespmem:s23+$0x30]  }
0x4d: {  	v4 =	vadd.s32 v4, v7;
	v13 =	vmin.u32 v13, $0x7F;
	v19 =	vld [tilespmem:s23+$0x40];
	v14 =	vmul.f32 $1.280000000e+02, v14  }
0x4e: {  	v1 =	vadd.s32 v1, v8;
	v7 =	vmul.f32 $1.280000000e+02, v15;
	v15 =	vld [tilespmem:s23+$0x50];
	[tilespmem:s22+$0x9000] =	vst v4;
	v4 =	vadd.s32 v5, v9  }
0x4f: {  	v5 =	vmul.f32 $1.280000000e+02, v16;
	v8 =	vld [tilespmem:s23+$0x60];
	v9 =	vtrunc.f32 v14;
	[tilespmem:s22+$0x9010] =	vst v1;
	v1 =	vadd.s32 v6, v11  }
0x50: {  	v3 =	vadd.s32 v3, v10;
	v6 =	vmul.f32 $1.280000000e+02, v17;
	v9 =	vcvt.f32.s32 v9;
	v11 =	vld [tilespmem:s23+$0x4870];
	[tilespmem:s22+$0x9020] =	vst v4  }
0x51: {  	v2 =	vadd.s32 v2, v12;
	v7 =	vtrunc.f32 v7;
	v4 =	vld [tilespmem:s23+$0x4800];
	v10 =	vmul.f32 $1.280000000e+02, v18;
	[tilespmem:s22+$0x9030] =	vst v1  }
0x52: {  	v12 =	vtrunc.f32 v5;
	v1 =	vld [tilespmem:s23+$0x4810];
	v14 =	vmul.f32 $1.280000000e+02, v19;
	vm0 =	vgt.s32 v9, $0x0;
	[tilespmem:s22+$0x9040] =	vst v3  }
0x53: {  	v16 =	vtrunc.f32 v6;
	v5 =	vld [tilespmem:s23+$0x4820];
	v15 =	vmul.f32 $1.280000000e+02, v15;
	v3 =	vnsel vm0, $0x0, v9;
	[tilespmem:s22+$0x9050] =	vst v2  }
0x54: {  	v10 =	vtrunc.f32 v10;
	v6 =	vld [tilespmem:s23+$0x4830];
	v8 =	vmul.f32 $1.280000000e+02, v8;
	v2 =	vmin.u32 v3, $0x7F  }
0x55: {  	v14 =	vtrunc.f32 v14;
	v3 =	vld [tilespmem:s23+$0x4840];
	v15 =	vtrunc.f32 v15;
	v9 =	vadd.s32 v11, v2  }
.Ltmp2:
0x56: {  	v7 =	vcvt.f32.s32 v7;
	v11 =	vadd.s32 v0, v13;
	v2 =	vld [tilespmem:s23+$0x4850];
	v17 =	vtrunc.f32 v8;
	[tilespmem:s23+$0x9070] =	vst v9;
	(pc) =	sbr.rel @p1 .LBB2_2-.Ltmp2, $4  }
0x57: {  	v8 =	vcvt.f32.s32 v12;
	v9 =	vcvt.f32.s32 v16;
	v0 =	vld [tilespmem:s23+$0x4860];
	[tilespmem:s22+$0x9060] =	vst v11;
	s22 =	smov.u32 s23  }
0x58: {  	vm0 =	vgt.s32 v7, $0x0;
	v11 =	vcvt.f32.s32 v10;
	v10 =	vcvt.f32.s32 v14  }
0x59: {  	v12 =	vcvt.f32.s32 v15;
	v13 =	vcvt.f32.s32 v17;
	vm1 =	vgt.s32 v8, $0x0  }
0x5a: {  	s23 =	sshra.s32 s24, $0x2;
	s24 =	sadd.s32 $0x200, s24;
	vm4 =	vgt.s32 v9, $0x0;
	vm3 =	vgt.s32 v11, $0x0;
	vm2 =	vgt.s32 v10, $0x0  }
0x5b: {  	v14 =	vld [tilespmem:s23+$0x70]  }
0x5c: {  	v15 =	vld [tilespmem:s23+$0x0];
	v7 =	vnsel vm0, $0x0, v7  }
0x5d: {  	v16 =	vld [tilespmem:s23+$0x10];
	vm0 =	vgt.s32 v12, $0x0;
	v8 =	vnsel vm1, $0x0, v8;
	v9 =	vnsel vm4, $0x0, v9  }
0x5e: {  	v17 =	vld [tilespmem:s23+$0x20];
	vm1 =	vgt.s32 v13, $0x0;
	v11 =	vnsel vm3, $0x0, v11;
	v10 =	vnsel vm2, $0x0, v10  }
0x5f: {  	v18 =	vld [tilespmem:s23+$0x30];
	v12 =	vnsel vm0, $0x0, v12;
	v13 =	vnsel vm1, $0x0, v13;
	v7 =	vmin.u32 v7, $0x7F  }
0x60: {  	v8 =	vmin.u32 v8, $0x7F;
	v9 =	vmin.u32 v9, $0x7F;
	v4 =	vadd.s32 v4, v7;
	v7 =	vld [tilespmem:s23+$0x50]  }
0x61: {  	v19 =	vld [tilespmem:s23+$0x40];
	v11 =	vmin.u32 v11, $0x7F;
	v1 =	vadd.s32 v1, v8;
	[tilespmem:s22+$0x9000] =	vst v4;
	v4 =	vmul.f32 $1.280000000e+02, v14  }
0x62: {  	v5 =	vadd.s32 v5, v9;
	v14 =	vmul.f32 $1.280000000e+02, v15;
	v9 =	vmul.f32 $1.280000000e+02, v16  }
0x63: {  	v8 =	vld [tilespmem:s23+$0x60];
	[tilespmem:s22+$0x9010] =	vst v1;
	v1 =	vtrunc.f32 v4;
	v4 =	vadd.s32 v6, v11;
	v6 =	vmul.f32 $1.280000000e+02, v17  }
0x64: {  	v10 =	vmin.u32 v10, $0x7F;
	v11 =	vld [tilespmem:s23+$0x4870];
	[tilespmem:s22+$0x9020] =	vst v5;
	v5 =	vtrunc.f32 v14;
	v14 =	vmul.f32 $1.280000000e+02, v18  }
0x65: {  	v12 =	vmin.u32 v12, $0x7F;
	v9 =	vtrunc.f32 v9;
	v7 =	vmul.f32 $1.280000000e+02, v7  }
0x66: {  	v3 =	vadd.s32 v3, v10;
	v1 =	vcvt.f32.s32 v1;
	v10 =	vld [tilespmem:s23+$0x4800];
	[tilespmem:s22+$0x9030] =	vst v4;
	v4 =	vmul.f32 $1.280000000e+02, v19  }
0x67: {  	v13 =	vmin.u32 v13, $0x7F;
	v5 =	vcvt.f32.s32 v5;
	v6 =	vtrunc.f32 v6  }
0x68: {  	v2 =	vadd.s32 v2, v12;
	v12 =	vld [tilespmem:s23+$0x4810];
	v14 =	vtrunc.f32 v14;
	[tilespmem:s22+$0x9040] =	vst v3;
	v3 =	vmul.f32 $1.280000000e+02, v8  }
0x69: {  	v0 =	vadd.s32 v0, v13;
	v7 =	vtrunc.f32 v7;
	v4 =	vtrunc.f32 v4  }
0x6a: {  	vm0 =	vgt.s32 v1, $0x0;
	v6 =	vcvt.f32.s32 v6;
	v7 =	vcvt.f32.s32 v7  }
0x6b: {  	v8 =	vld [tilespmem:s23+$0x4820];
	[tilespmem:s22+$0x9050] =	vst v2;
	v1 =	vnsel vm0, $0x0, v1;
	v2 =	vtrunc.f32 v3;
	v3 =	vcvt.f32.s32 v9  }
0x6c: {  	vm0 =	vgt.s32 v5, $0x0;
	v4 =	vcvt.f32.s32 v4;
	v1 =	vmin.u32 v1, $0x7F  }
0x6d: {  	v2 =	vcvt.f32.s32 v2;
	vm2 =	vgt.s32 v6, $0x0;
	v1 =	vadd.s32 v11, v1  }
0x6e: {  	v9 =	vld [tilespmem:s23+$0x4830];
	v11 =	vcvt.f32.s32 v14;
	vm1 =	vgt.s32 v3, $0x0;
	vm4 =	vgt.s32 v4, $0x0  }
0x6f: {  	v13 =	vld [tilespmem:s23+$0x4840];
	[tilespmem:s23+$0x9070] =	vst v1;
	v1 =	vnsel vm0, $0x0, v5;
	vm0 =	vgt.s32 v7, $0x0;
	vm5 =	vgt.s32 v2, $0x0  }
0x70: {  	v14 =	vld [tilespmem:s23+$0x4850];
	v3 =	vnsel vm1, $0x0, v3;
	vm3 =	vgt.s32 v11, $0x0;
	v1 =	vmin.u32 v1, $0x7F  }
0x71: {  	v5 =	vld [tilespmem:s23+$0x4860];
	[tilespmem:s22+$0x9060] =	vst v0;
	v0 =	vnsel vm2, $0x0, v6;
	v3 =	vmin.u32 v3, $0x7F;
	v1 =	vadd.s32 v10, v1  }
0x72: {  	v6 =	vnsel vm3, $0x0, v11;
	v0 =	vmin.u32 v0, $0x7F;
	[tilespmem:s23+$0x9000] =	vst v1;
	v1 =	vadd.s32 v12, v3  }
0x73: {  	v3 =	vnsel vm4, $0x0, v4;
	v4 =	vmin.u32 v6, $0x7F;
	v0 =	vadd.s32 v8, v0;
	[tilespmem:s23+$0x9010] =	vst v1  }
0x74: {  	v1 =	vnsel vm0, $0x0, v7;
	v3 =	vmin.u32 v3, $0x7F;
	v4 =	vadd.s32 v9, v4;
	[tilespmem:s23+$0x9020] =	vst v0  }
0x75: {  	v0 =	vnsel vm5, $0x0, v2;
	v1 =	vmin.u32 v1, $0x7F;
	v2 =	vadd.s32 v13, v3;
	[tilespmem:s23+$0x9030] =	vst v4  }
0x76: {  	v0 =	vmin.u32 v0, $0x7F;
	v1 =	vadd.s32 v14, v1;
	[tilespmem:s23+$0x9040] =	vst v2  }
0x77: {  	v0 =	vadd.s32 v5, v0;
	[tilespmem:s23+$0x9050] =	vst v1  }
0x78: {  	s22 =	simm.s32 $0x0;
	[tilespmem:s23+$0x9060] =	vst v0  }
0x79: {  	[tilespmem:s12], [sflag:$0x1] =	stream.indirect.gather [hbm4b:s3+s10], $0x1, s11, s10, $0xb8;
	[tilespmem:$0x12080] =	vst v63  }
0x7a: {  	v0 =	vld [tilespmem:s22+$0x1970]  }
0x7b: {  	v1 =	vld [tilespmem:s22+$0x1900]  }
0x7c: {  	v2 =	vld [tilespmem:s22+$0x1910]  }
0x7d: {  	v3 =	vld [tilespmem:s22+$0x1920]  }
0x7e: {  	v4 =	vld [tilespmem:s22+$0x1930]  }
0x7f: {  	v5 =	vld [tilespmem:s22+$0x1940];
	_ =	sdelay $0x1  }
0x80: {  	v6 =	vld [tilespmem:s22+$0x1950];
	v0 =	vmul.f32 $1.280000000e+02, v0  }
0x81: {  	v1 =	vmul.f32 $1.280000000e+02, v1;
	v2 =	vmul.f32 $1.280000000e+02, v2  }
0x82: {  	v7 =	vld [tilespmem:s22+$0x1960];
	v3 =	vmul.f32 $1.280000000e+02, v3;
	v9 =	vmul.f32 $1.280000000e+02, v4  }
0x83: {  	v11 =	vmul.f32 $1.280000000e+02, v5;
	v0 =	vtrunc.f32 v0  }
0x84: {  	v8 =	vtrunc.f32 v1;
	v2 =	vtrunc.f32 v2  }
0x85: {  	v12 =	vtrunc.f32 v3;
	v3 =	vmul.f32 $1.280000000e+02, v6  }
0x86: {  	v10 =	vld [tilespmem:s22+$0x6170];
	v13 =	vtrunc.f32 v9;
	v0 =	vcvt.f32.s32 v0  }
0x87: {  	v4 =	vld [tilespmem:s22+$0x6100];
	v9 =	vmul.f32 $1.280000000e+02, v7;
	v14 =	vtrunc.f32 v11  }
0x88: {  	v5 =	vld [tilespmem:s22+$0x6120];
	v7 =	vcvt.f32.s32 v8;
	v8 =	vcvt.f32.s32 v2;
	vm0 =	vgt.s32 v0, $0x0  }
0x89: {  	v1 =	vld [tilespmem:s22+$0x6110];
	v11 =	vcvt.f32.s32 v13;
	v15 =	vtrunc.f32 v3;
	v0 =	vnsel vm0, $0x0, v0  }
0x8a: {  	v6 =	vld [tilespmem:s22+$0x6130];
	v63 =	vtrunc.f32 v9;
	v9 =	vcvt.f32.s32 v12;
	v0 =	vmin.u32 v0, $0x7F  }
0x8b: {  	v2 =	vld [tilespmem:s22+$0x6150];
	vm1 =	vgt.s32 v8, $0x0;
	v0 =	vadd.s32 v10, v0;
	v10 =	vcvt.f32.s32 v14  }
0x8c: {  	v3 =	vld [tilespmem:s22+$0x6140];
	v12 =	vcvt.f32.s32 v15;
	v13 =	vcvt.f32.s32 v63;
	vm3 =	vgt.s32 v11, $0x0  }
0x8d: {  	s24 =	simm.s32 $0x400;
	s23 =	simm.s32 $0x80;
	vm0 =	vgt.s32 v7, $0x0;
	vm4 =	vgt.s32 v9, $0x0;
	[tilespmem:s22+$0xA970] =	vst v0;
	v0 =	vld [tilespmem:s22+$0x6160];
	vm2 =	vgt.s32 v10, $0x0  }
.LBB2_4:
0x8e: {  	p1 =	sne.s32 s24, $0x6400;
	v14 =	vld [tilespmem:s23+$0x1970];
	v7 =	vnsel vm0, $0x0, v7;
	vm0 =	vgt.s32 v12, $0x0;
	vm5 =	vgt.s32 v13, $0x0  }
0x8f: {  	v8 =	vnsel vm1, $0x0, v8;
	v9 =	vnsel vm4, $0x0, v9;
	v11 =	vnsel vm3, $0x0, v11;
	v15 =	vld [tilespmem:s23+$0x1900]  }
0x90: {  	v10 =	vnsel vm2, $0x0, v10;
	v12 =	vnsel vm0, $0x0, v12;
	v13 =	vnsel vm5, $0x0, v13;
	v16 =	vld [tilespmem:s23+$0x1910]  }
0x91: {  	v7 =	vmin.u32 v7, $0x7F;
	v8 =	vmin.u32 v8, $0x7F;
	v9 =	vmin.u32 v9, $0x7F;
	v17 =	vld [tilespmem:s23+$0x1920]  }
0x92: {  	v11 =	vmin.u32 v11, $0x7F;
	v10 =	vmin.u32 v10, $0x7F;
	v12 =	vmin.u32 v12, $0x7F;
	v18 =	vld [tilespmem:s23+$0x1930]  }
0x93: {  	v4 =	vadd.s32 v4, v7;
	v13 =	vmin.u32 v13, $0x7F;
	v19 =	vld [tilespmem:s23+$0x1940];
	v14 =	vmul.f32 $1.280000000e+02, v14  }
0x94: {  	v1 =	vadd.s32 v1, v8;
	v7 =	vmul.f32 $1.280000000e+02, v15;
	v15 =	vld [tilespmem:s23+$0x1950];
	[tilespmem:s22+$0xA900] =	vst v4;
	v4 =	vadd.s32 v5, v9  }
0x95: {  	v5 =	vmul.f32 $1.280000000e+02, v16;
	v8 =	vld [tilespmem:s23+$0x1960];
	v9 =	vtrunc.f32 v14;
	[tilespmem:s22+$0xA910] =	vst v1;
	v1 =	vadd.s32 v6, v11  }
0x96: {  	v3 =	vadd.s32 v3, v10;
	v6 =	vmul.f32 $1.280000000e+02, v17;
	v9 =	vcvt.f32.s32 v9;
	v11 =	vld [tilespmem:s23+$0x6170];
	[tilespmem:s22+$0xA920] =	vst v4  }
0x97: {  	v2 =	vadd.s32 v2, v12;
	v7 =	vtrunc.f32 v7;
	v4 =	vld [tilespmem:s23+$0x6100];
	v10 =	vmul.f32 $1.280000000e+02, v18;
	[tilespmem:s22+$0xA930] =	vst v1  }
0x98: {  	v12 =	vtrunc.f32 v5;
	v1 =	vld [tilespmem:s23+$0x6110];
	v14 =	vmul.f32 $1.280000000e+02, v19;
	vm0 =	vgt.s32 v9, $0x0;
	[tilespmem:s22+$0xA940] =	vst v3  }
0x99: {  	v16 =	vtrunc.f32 v6;
	v5 =	vld [tilespmem:s23+$0x6120];
	v15 =	vmul.f32 $1.280000000e+02, v15;
	v3 =	vnsel vm0, $0x0, v9;
	[tilespmem:s22+$0xA950] =	vst v2  }
0x9a: {  	v10 =	vtrunc.f32 v10;
	v6 =	vld [tilespmem:s23+$0x6130];
	v8 =	vmul.f32 $1.280000000e+02, v8;
	v2 =	vmin.u32 v3, $0x7F  }
0x9b: {  	v14 =	vtrunc.f32 v14;
	v3 =	vld [tilespmem:s23+$0x6140];
	v15 =	vtrunc.f32 v15;
	v9 =	vadd.s32 v11, v2  }
.Ltmp3:
0x9c: {  	v7 =	vcvt.f32.s32 v7;
	v11 =	vadd.s32 v0, v13;
	v2 =	vld [tilespmem:s23+$0x6150];
	v17 =	vtrunc.f32 v8;
	[tilespmem:s23+$0xA970] =	vst v9;
	(pc) =	sbr.rel @p1 .LBB2_4-.Ltmp3, $4  }
0x9d: {  	v8 =	vcvt.f32.s32 v12;
	v9 =	vcvt.f32.s32 v16;
	v0 =	vld [tilespmem:s23+$0x6160];
	[tilespmem:s22+$0xA960] =	vst v11;
	s22 =	smov.u32 s23  }
0x9e: {  	vm0 =	vgt.s32 v7, $0x0;
	v11 =	vcvt.f32.s32 v10;
	v10 =	vcvt.f32.s32 v14  }
0x9f: {  	v12 =	vcvt.f32.s32 v15;
	v13 =	vcvt.f32.s32 v17;
	vm1 =	vgt.s32 v8, $0x0  }
0xa0: {  	s23 =	sshra.s32 s24, $0x2;
	s24 =	sadd.s32 $0x200, s24;
	vm4 =	vgt.s32 v9, $0x0;
	vm3 =	vgt.s32 v11, $0x0;
	vm2 =	vgt.s32 v10, $0x0  }
0xa1: {  	v14 =	vld [tilespmem:s23+$0x1970]  }
0xa2: {  	v15 =	vld [tilespmem:s23+$0x1900]  }
0xa3: {  	v16 =	vld [tilespmem:s23+$0x1910]  }
0xa4: {  	v7 =	vnsel vm0, $0x0, v7;
	v17 =	vld [tilespmem:s23+$0x1920]  }
0xa5: {  	vm7 =	vgt.s32 v12, $0x0;
	v8 =	vnsel vm1, $0x0, v8;
	v9 =	vnsel vm4, $0x0, v9;
	v18 =	vld [tilespmem:s23+$0x1930]  }
0xa6: {  	vm8 =	vgt.s32 v13, $0x0;
	v11 =	vnsel vm3, $0x0, v11;
	v10 =	vnsel vm2, $0x0, v10;
	v19 =	vld [tilespmem:s23+$0x1940]  }
0xa7: {  	v32 =	vld [tilespmem:s23+$0x1950];
	v12 =	vnsel vm7, $0x0, v12;
	v13 =	vnsel vm8, $0x0, v13;
	v7 =	vmin.u32 v7, $0x7F  }
0xa8: {  	v8 =	vmin.u32 v8, $0x7F;
	v9 =	vmin.u32 v9, $0x7F;
	v11 =	vmin.u32 v11, $0x7F  }
0xa9: {  	v10 =	vmin.u32 v10, $0x7F;
	v33 =	vmul.f32 $1.280000000e+02, v14;
	v35 =	vmul.f32 $1.280000000e+02, v15  }
0xaa: {  	v4 =	vadd.s32 v4, v7;
	v36 =	vmul.f32 $1.280000000e+02, v16;
	v39 =	vmul.f32 $1.280000000e+02, v17  }
0xab: {  	v12 =	vmin.u32 v12, $0x7F;
	v43 =	vmul.f32 $1.280000000e+02, v18;
	v44 =	vmul.f32 $1.280000000e+02, v19  }
0xac: {  	v1 =	vadd.s32 v1, v8;
	v7 =	vmul.f32 $1.280000000e+02, v32;
	v37 =	vtrunc.f32 v33  }
0xad: {  	v5 =	vadd.s32 v5, v9;
	[tilespmem:s22+$0xA900] =	vst v4;
	v41 =	vtrunc.f32 v35;
	v9 =	vtrunc.f32 v36  }
0xae: {  	v38 =	vadd.s32 v6, v11;
	v34 =	vld [tilespmem:s23+$0x1960];
	v6 =	vtrunc.f32 v39;
	v14 =	vtrunc.f32 v43  }
0xaf: {  	v13 =	vmin.u32 v13, $0x7F;
	[tilespmem:s22+$0xA910] =	vst v1;
	v4 =	vtrunc.f32 v44;
	v7 =	vtrunc.f32 v7  }
0xb0: {  	v3 =	vadd.s32 v3, v10;
	v40 =	vld [tilespmem:s23+$0x6170];
	[tilespmem:s22+$0xA920] =	vst v5;
	v1 =	vcvt.f32.s32 v37;
	v5 =	vcvt.f32.s32 v41  }
0xb1: {  	v2 =	vadd.s32 v2, v12;
	v49 =	vcvt.f32.s32 v9;
	v6 =	vcvt.f32.s32 v6  }
0xb2: {  	v0 =	vadd.s32 v0, v13;
	v51 =	vcvt.f32.s32 v14;
	v4 =	vcvt.f32.s32 v4  }
0xb3: {  	v42 =	vld [tilespmem:s23+$0x6100];
	[tilespmem:s22+$0xA930] =	vst v38;
	v7 =	vcvt.f32.s32 v7;
	v46 =	vmul.f32 $1.280000000e+02, v34;
	vm9 =	vgt.s32 v1, $0x0  }
0xb4: {  	v45 =	vld [tilespmem:s23+$0x6110];
	[tilespmem:s22+$0xA940] =	vst v3;
	vm10 =	vgt.s32 v5, $0x0;
	vm11 =	vgt.s32 v49, $0x0;
	vm12 =	vgt.s32 v6, $0x0  }
0xb5: {  	v47 =	vld [tilespmem:s23+$0x6120];
	[tilespmem:s22+$0xA950] =	vst v2;
	vm13 =	vgt.s32 v51, $0x0;
	vm14 =	vgt.s32 v4, $0x0;
	v1 =	vnsel vm9, $0x0, v1  }
0xb6: {  	v50 =	vld [tilespmem:s23+$0x6130];
	vm15 =	vgt.s32 v7, $0x0;
	v48 =	vtrunc.f32 v46;
	v1 =	vmin.u32 v1, $0x7F  }
0xb7: {  	v52 =	vld [tilespmem:s23+$0x6140];
	v54 =	vnsel vm10, $0x0, v5;
	v3 =	vnsel vm11, $0x0, v49;
	v1 =	vadd.s32 v40, v1  }
0xb8: {  	v53 =	vld [tilespmem:s23+$0x6150];
	v56 =	vnsel vm12, $0x0, v6;
	v57 =	vnsel vm13, $0x0, v51;
	[tilespmem:s23+$0xA970] =	vst v1;
	v1 =	vmin.u32 v54, $0x7F  }
0xb9: {  	v55 =	vld [tilespmem:s23+$0x6160];
	v59 =	vnsel vm14, $0x0, v4;
	v3 =	vmin.u32 v3, $0x7F;
	[tilespmem:s22+$0xA960] =	vst v0;
	v1 =	vadd.s32 v42, v1  }
0xba: {  	v2 =	vcvt.f32.s32 v48;
	v60 =	vmin.u32 v57, $0x7F;
	v58 =	vadd.s32 v45, v3;
	[tilespmem:s23+$0xA900] =	vst v1  }
0xbb: {  	v61 =	vnsel vm15, $0x0, v7;
	v3 =	vmin.u32 v59, $0x7F;
	v4 =	vadd.s32 v50, v60;
	[tilespmem:s23+$0xA910] =	vst v58  }
0xbc: {  	vm5 =	vgt.s32 v2, $0x0;
	v63 =	vadd.s32 v52, v3;
	v0 =	vmin.u32 v56, $0x7F;
	[tilespmem:s23+$0xA930] =	vst v4  }
.Ltmp4:
0xbd: {  	v62 =	vnsel vm5, $0x0, v2;
	v0 =	vadd.s32 v47, v0;
	v1 =	vmin.u32 v61, $0x7F;
	[tilespmem:s23+$0xA940] =	vst v63;
	(pc) =	sbr.rel @p0 .LBB2_9-.Ltmp4, $4  }
0xbe: {  	[tilespmem:s23+$0xA920] =	vst v0;
	v0 =	vmin.u32 v62, $0x7F;
	v1 =	vadd.s32 v53, v1  }
0xbf: {  	[tilespmem:s23+$0xA950] =	vst v1;
	v0 =	vadd.s32 v55, v0  }
0xc0: {  	[tilespmem:s23+$0xA960] =	vst v0  }
0xc1: {  	[tilespmem:s15], [sflag:$0x1] =	stream.indirect.gather [hbm4b:s3+s13], $0x1, s14, s13, $0xb8;
	[tilespmem:$0x12080] =	vst v63  }
0xc2: {  	s22 =	simm.s32 $0x0  }
0xc3: {  	v0 =	vld [tilespmem:s22+$0x32F0]  }
0xc4: {  	v1 =	vld [tilespmem:s22+$0x3280]  }
0xc5: {  	v2 =	vld [tilespmem:s22+$0x3290]  }
0xc6: {  	v3 =	vld [tilespmem:s22+$0x32A0]  }
0xc7: {  	v4 =	vld [tilespmem:s22+$0x32B0]  }
0xc8: {  	v5 =	vld [tilespmem:s22+$0x32C0];
	_ =	sdelay $0x1  }
0xc9: {  	v6 =	vld [tilespmem:s22+$0x32D0];
	v0 =	vmul.f32 $1.280000000e+02, v0  }
0xca: {  	v1 =	vmul.f32 $1.280000000e+02, v1;
	v2 =	vmul.f32 $1.280000000e+02, v2  }
0xcb: {  	v7 =	vld [tilespmem:s22+$0x32E0];
	v3 =	vmul.f32 $1.280000000e+02, v3;
	v9 =	vmul.f32 $1.280000000e+02, v4  }
0xcc: {  	v11 =	vmul.f32 $1.280000000e+02, v5;
	v0 =	vtrunc.f32 v0  }
0xcd: {  	v8 =	vtrunc.f32 v1;
	v2 =	vtrunc.f32 v2  }
0xce: {  	v12 =	vtrunc.f32 v3;
	v3 =	vmul.f32 $1.280000000e+02, v6  }
0xcf: {  	v10 =	vld [tilespmem:s22+$0x7AF0];
	v13 =	vtrunc.f32 v9;
	v0 =	vcvt.f32.s32 v0  }
0xd0: {  	v4 =	vld [tilespmem:s22+$0x7A80];
	v9 =	vmul.f32 $1.280000000e+02, v7;
	v14 =	vtrunc.f32 v11  }
0xd1: {  	v5 =	vld [tilespmem:s22+$0x7AA0];
	v7 =	vcvt.f32.s32 v8;
	v8 =	vcvt.f32.s32 v2;
	vm0 =	vgt.s32 v0, $0x0  }
0xd2: {  	v1 =	vld [tilespmem:s22+$0x7A90];
	v11 =	vcvt.f32.s32 v13;
	v15 =	vtrunc.f32 v3;
	v0 =	vnsel vm0, $0x0, v0  }
0xd3: {  	v6 =	vld [tilespmem:s22+$0x7AB0];
	v16 =	vtrunc.f32 v9;
	v9 =	vcvt.f32.s32 v12;
	v0 =	vmin.u32 v0, $0x7F  }
0xd4: {  	v2 =	vld [tilespmem:s22+$0x7AD0];
	vm1 =	vgt.s32 v8, $0x0;
	v0 =	vadd.s32 v10, v0;
	v10 =	vcvt.f32.s32 v14  }
0xd5: {  	v3 =	vld [tilespmem:s22+$0x7AC0];
	v12 =	vcvt.f32.s32 v15;
	v13 =	vcvt.f32.s32 v16;
	vm3 =	vgt.s32 v11, $0x0  }
0xd6: {  	s23 =	simm.s32 $0x80;
	s24 =	simm.s32 $0x400;
	vm0 =	vgt.s32 v7, $0x0;
	vm4 =	vgt.s32 v9, $0x0;
	[tilespmem:s22+$0xC2F0] =	vst v0;
	v0 =	vld [tilespmem:s22+$0x7AE0];
	vm2 =	vgt.s32 v10, $0x0  }
.LBB2_7:
0xd7: {  	p1 =	sne.s32 s24, $0x5400;
	v14 =	vld [tilespmem:s23+$0x32F0];
	v7 =	vnsel vm0, $0x0, v7;
	vm0 =	vgt.s32 v12, $0x0;
	vm5 =	vgt.s32 v13, $0x0  }
0xd8: {  	v8 =	vnsel vm1, $0x0, v8;
	v9 =	vnsel vm4, $0x0, v9;
	v11 =	vnsel vm3, $0x0, v11;
	v15 =	vld [tilespmem:s23+$0x3280]  }
0xd9: {  	v10 =	vnsel vm2, $0x0, v10;
	v12 =	vnsel vm0, $0x0, v12;
	v13 =	vnsel vm5, $0x0, v13;
	v16 =	vld [tilespmem:s23+$0x3290]  }
0xda: {  	v7 =	vmin.u32 v7, $0x7F;
	v8 =	vmin.u32 v8, $0x7F;
	v9 =	vmin.u32 v9, $0x7F;
	v17 =	vld [tilespmem:s23+$0x32A0]  }
0xdb: {  	v11 =	vmin.u32 v11, $0x7F;
	v10 =	vmin.u32 v10, $0x7F;
	v12 =	vmin.u32 v12, $0x7F;
	v18 =	vld [tilespmem:s23+$0x32B0]  }
0xdc: {  	v4 =	vadd.s32 v4, v7;
	v13 =	vmin.u32 v13, $0x7F;
	v19 =	vld [tilespmem:s23+$0x32C0];
	v14 =	vmul.f32 $1.280000000e+02, v14  }
0xdd: {  	v1 =	vadd.s32 v1, v8;
	v7 =	vmul.f32 $1.280000000e+02, v15;
	v15 =	vld [tilespmem:s23+$0x32D0];
	[tilespmem:s22+$0xC280] =	vst v4;
	v4 =	vadd.s32 v5, v9  }
0xde: {  	v5 =	vmul.f32 $1.280000000e+02, v16;
	v8 =	vld [tilespmem:s23+$0x32E0];
	v9 =	vtrunc.f32 v14;
	[tilespmem:s22+$0xC290] =	vst v1;
	v1 =	vadd.s32 v6, v11  }
0xdf: {  	v3 =	vadd.s32 v3, v10;
	v6 =	vmul.f32 $1.280000000e+02, v17;
	v9 =	vcvt.f32.s32 v9;
	v11 =	vld [tilespmem:s23+$0x7AF0];
	[tilespmem:s22+$0xC2A0] =	vst v4  }
0xe0: {  	v2 =	vadd.s32 v2, v12;
	v7 =	vtrunc.f32 v7;
	v4 =	vld [tilespmem:s23+$0x7A80];
	v10 =	vmul.f32 $1.280000000e+02, v18;
	[tilespmem:s22+$0xC2B0] =	vst v1  }
0xe1: {  	v12 =	vtrunc.f32 v5;
	v1 =	vld [tilespmem:s23+$0x7A90];
	v14 =	vmul.f32 $1.280000000e+02, v19;
	vm0 =	vgt.s32 v9, $0x0;
	[tilespmem:s22+$0xC2C0] =	vst v3  }
0xe2: {  	v16 =	vtrunc.f32 v6;
	v5 =	vld [tilespmem:s23+$0x7AA0];
	v15 =	vmul.f32 $1.280000000e+02, v15;
	v3 =	vnsel vm0, $0x0, v9;
	[tilespmem:s22+$0xC2D0] =	vst v2  }
0xe3: {  	v10 =	vtrunc.f32 v10;
	v6 =	vld [tilespmem:s23+$0x7AB0];
	v8 =	vmul.f32 $1.280000000e+02, v8;
	v2 =	vmin.u32 v3, $0x7F  }
0xe4: {  	v14 =	vtrunc.f32 v14;
	v3 =	vld [tilespmem:s23+$0x7AC0];
	v15 =	vtrunc.f32 v15;
	v9 =	vadd.s32 v11, v2  }
.Ltmp5:
0xe5: {  	v7 =	vcvt.f32.s32 v7;
	v11 =	vadd.s32 v0, v13;
	v2 =	vld [tilespmem:s23+$0x7AD0];
	v17 =	vtrunc.f32 v8;
	[tilespmem:s23+$0xC2F0] =	vst v9;
	(pc) =	sbr.rel @p1 .LBB2_7-.Ltmp5, $4  }
0xe6: {  	v8 =	vcvt.f32.s32 v12;
	v9 =	vcvt.f32.s32 v16;
	v0 =	vld [tilespmem:s23+$0x7AE0];
	[tilespmem:s22+$0xC2E0] =	vst v11;
	s22 =	smov.u32 s23  }
0xe7: {  	vm0 =	vgt.s32 v7, $0x0;
	v11 =	vcvt.f32.s32 v10;
	v10 =	vcvt.f32.s32 v14  }
0xe8: {  	v12 =	vcvt.f32.s32 v15;
	v13 =	vcvt.f32.s32 v17;
	vm1 =	vgt.s32 v8, $0x0  }
0xe9: {  	s23 =	sshra.s32 s24, $0x2;
	s24 =	sadd.s32 $0x200, s24;
	vm4 =	vgt.s32 v9, $0x0;
	vm3 =	vgt.s32 v11, $0x0;
	vm2 =	vgt.s32 v10, $0x0  }
0xea: {  	v14 =	vld [tilespmem:s23+$0x32F0]  }
0xeb: {  	v15 =	vld [tilespmem:s23+$0x3280]  }
0xec: {  	v16 =	vld [tilespmem:s23+$0x3290]  }
0xed: {  	v7 =	vnsel vm0, $0x0, v7;
	v17 =	vld [tilespmem:s23+$0x32A0]  }
0xee: {  	vm7 =	vgt.s32 v12, $0x0;
	v8 =	vnsel vm1, $0x0, v8;
	v9 =	vnsel vm4, $0x0, v9;
	v18 =	vld [tilespmem:s23+$0x32B0]  }
0xef: {  	vm8 =	vgt.s32 v13, $0x0;
	v11 =	vnsel vm3, $0x0, v11;
	v10 =	vnsel vm2, $0x0, v10;
	v19 =	vld [tilespmem:s23+$0x32C0]  }
0xf0: {  	v32 =	vld [tilespmem:s23+$0x32D0];
	v12 =	vnsel vm7, $0x0, v12;
	v13 =	vnsel vm8, $0x0, v13;
	v7 =	vmin.u32 v7, $0x7F  }
0xf1: {  	v8 =	vmin.u32 v8, $0x7F;
	v9 =	vmin.u32 v9, $0x7F;
	v11 =	vmin.u32 v11, $0x7F  }
0xf2: {  	v10 =	vmin.u32 v10, $0x7F;
	v33 =	vmul.f32 $1.280000000e+02, v14;
	v35 =	vmul.f32 $1.280000000e+02, v15  }
0xf3: {  	v4 =	vadd.s32 v4, v7;
	v36 =	vmul.f32 $1.280000000e+02, v16;
	v39 =	vmul.f32 $1.280000000e+02, v17  }
0xf4: {  	v12 =	vmin.u32 v12, $0x7F;
	v43 =	vmul.f32 $1.280000000e+02, v18;
	v44 =	vmul.f32 $1.280000000e+02, v19  }
0xf5: {  	v1 =	vadd.s32 v1, v8;
	v7 =	vmul.f32 $1.280000000e+02, v32;
	v37 =	vtrunc.f32 v33  }
0xf6: {  	v5 =	vadd.s32 v5, v9;
	[tilespmem:s22+$0xC280] =	vst v4;
	v41 =	vtrunc.f32 v35;
	v9 =	vtrunc.f32 v36  }
0xf7: {  	v38 =	vadd.s32 v6, v11;
	v34 =	vld [tilespmem:s23+$0x32E0];
	v6 =	vtrunc.f32 v39;
	v14 =	vtrunc.f32 v43  }
0xf8: {  	v13 =	vmin.u32 v13, $0x7F;
	[tilespmem:s22+$0xC290] =	vst v1;
	v4 =	vtrunc.f32 v44;
	v7 =	vtrunc.f32 v7  }
0xf9: {  	v3 =	vadd.s32 v3, v10;
	v40 =	vld [tilespmem:s23+$0x7AF0];
	[tilespmem:s22+$0xC2A0] =	vst v5;
	v1 =	vcvt.f32.s32 v37;
	v5 =	vcvt.f32.s32 v41  }
0xfa: {  	v2 =	vadd.s32 v2, v12;
	v49 =	vcvt.f32.s32 v9;
	v6 =	vcvt.f32.s32 v6  }
0xfb: {  	v0 =	vadd.s32 v0, v13;
	v51 =	vcvt.f32.s32 v14;
	v4 =	vcvt.f32.s32 v4  }
0xfc: {  	v42 =	vld [tilespmem:s23+$0x7A80];
	[tilespmem:s22+$0xC2B0] =	vst v38;
	v7 =	vcvt.f32.s32 v7;
	v46 =	vmul.f32 $1.280000000e+02, v34;
	vm9 =	vgt.s32 v1, $0x0  }
0xfd: {  	v45 =	vld [tilespmem:s23+$0x7A90];
	[tilespmem:s22+$0xC2C0] =	vst v3;
	vm10 =	vgt.s32 v5, $0x0;
	vm11 =	vgt.s32 v49, $0x0;
	vm12 =	vgt.s32 v6, $0x0  }
0xfe: {  	v47 =	vld [tilespmem:s23+$0x7AA0];
	[tilespmem:s22+$0xC2D0] =	vst v2;
	vm13 =	vgt.s32 v51, $0x0;
	vm14 =	vgt.s32 v4, $0x0;
	v1 =	vnsel vm9, $0x0, v1  }
0xff: {  	v50 =	vld [tilespmem:s23+$0x7AB0];
	vm15 =	vgt.s32 v7, $0x0;
	v48 =	vtrunc.f32 v46;
	v1 =	vmin.u32 v1, $0x7F  }
0x100: {  	v52 =	vld [tilespmem:s23+$0x7AC0];
	v54 =	vnsel vm10, $0x0, v5;
	v3 =	vnsel vm11, $0x0, v49;
	v1 =	vadd.s32 v40, v1  }
0x101: {  	v53 =	vld [tilespmem:s23+$0x7AD0];
	v56 =	vnsel vm12, $0x0, v6;
	v57 =	vnsel vm13, $0x0, v51;
	[tilespmem:s23+$0xC2F0] =	vst v1;
	v1 =	vmin.u32 v54, $0x7F  }
0x102: {  	v55 =	vld [tilespmem:s23+$0x7AE0];
	v59 =	vnsel vm14, $0x0, v4;
	v3 =	vmin.u32 v3, $0x7F;
	[tilespmem:s22+$0xC2E0] =	vst v0;
	v1 =	vadd.s32 v42, v1  }
0x103: {  	v2 =	vcvt.f32.s32 v48;
	v60 =	vmin.u32 v57, $0x7F;
	v58 =	vadd.s32 v45, v3;
	[tilespmem:s23+$0xC280] =	vst v1  }
0x104: {  	v61 =	vnsel vm15, $0x0, v7;
	v3 =	vmin.u32 v59, $0x7F;
	v4 =	vadd.s32 v50, v60;
	[tilespmem:s23+$0xC290] =	vst v58  }
0x105: {  	vm5 =	vgt.s32 v2, $0x0;
	v63 =	vadd.s32 v52, v3;
	v0 =	vmin.u32 v56, $0x7F;
	[tilespmem:s23+$0xC2B0] =	vst v4  }
0x106: {  	v62 =	vnsel vm5, $0x0, v2;
	v0 =	vadd.s32 v47, v0;
	v1 =	vmin.u32 v61, $0x7F;
	[tilespmem:s23+$0xC2C0] =	vst v63  }
0x107: {  	[tilespmem:s23+$0xC2A0] =	vst v0;
	v0 =	vmin.u32 v62, $0x7F;
	v1 =	vadd.s32 v53, v1  }
0x108: {  	[tilespmem:s23+$0xC2D0] =	vst v1;
	v0 =	vadd.s32 v55, v0  }
0x109: {  	[tilespmem:s23+$0xC2E0] =	vst v0  }
0x10a: {  	[tilespmem:s18], [sflag:$0x1] =	stream.indirect.gather [hbm4b:s3+s16], $0x1, s17, s16, $0xb8;
	[tilespmem:$0x12080] =	vst v63  }
.LBB2_9:
0x10b: {  	_ =	swait.ge [sflag:s9], $0x1900  }
0x10c: {  	[sflag:s9] =	ssyncset.done $0x0  }
0x10d: {  	s22 =	simm.s32 $0x0;
	[sflag:s9] =	ssyncadd.s32 $0xFFFFE700  }
0x10e: {  	v0 =	vld [tilespmem:s22+$0xD800];
	_ =	sdelay $0x1  }
0x10f: {  	v1 =	vld [tilespmem:s22+$0xD810];
	_ =	sdelay $0x1  }
0x110: {  	v2 =	vimm.f32 $0.0e+00;
	v3 =	vld [tilespmem:s22+$0xD820]  }
0x111: {  	v0 =	vadd.f32 v0, v2  }
0x112: {  	v2 =	vld [tilespmem:s22+$0xD830]  }
0x113: {  	v0 =	vadd.f32 v1, v0  }
0x114: {  	v1 =	vld [tilespmem:s22+$0xD840]  }
0x115: {  	v0 =	vadd.f32 v3, v0;
	_ =	sdelay $0x1  }
0x116: {  	v3 =	vld [tilespmem:s22+$0xD850];
	v0 =	vadd.f32 v2, v0;
	_ =	sdelay $0x1  }
0x117: {  	v2 =	vadd.f32 v1, v0;
	v1 =	vld [tilespmem:s22+$0xD860];
	_ =	sdelay $0x1  }
0x118: {  	v0 =	vld [tilespmem:s22+$0xD870]  }
0x119: {  	s23 =	simm.s32 $0x400;
	s22 =	simm.s32 $0x80;
	v2 =	vadd.f32 v3, v2  }
.LBB2_10:
0x11a: {  	p1 =	sne.s32 s23, $0x6200;
	v3 =	vld [tilespmem:s22+$0xD800]  }
0x11b: {  	v1 =	vadd.f32 v1, v2  }
0x11c: {  	v2 =	vld [tilespmem:s22+$0xD810]  }
0x11d: {  	v0 =	vadd.f32 v0, v1  }
0x11e: {  	v1 =	vld [tilespmem:s22+$0xD820]  }
0x11f: {  	v0 =	vadd.f32 v3, v0  }
0x120: {  	v3 =	vld [tilespmem:s22+$0xD830]  }
0x121: {  	v0 =	vadd.f32 v2, v0  }
0x122: {  	v2 =	vld [tilespmem:s22+$0xD840]  }
0x123: {  	v0 =	vadd.f32 v1, v0  }
0x124: {  	v4 =	vld [tilespmem:s22+$0xD850]  }
.Ltmp6:
0x125: {  	v0 =	vadd.f32 v3, v0;
	(pc) =	sbr.rel @p1 .LBB2_10-.Ltmp6, $4  }
0x126: {  	v1 =	vld [tilespmem:s22+$0xD860]  }
0x127: {  	v2 =	vadd.f32 v2, v0  }
0x128: {  	v0 =	vld [tilespmem:s22+$0xD870]  }
0x129: {  	s22 =	sshra.s32 s23, $0x2;
	s23 =	sadd.s32 $0x200, s23;
	v2 =	vadd.f32 v4, v2  }
0x12a: {  	v3 =	vld [tilespmem:s22+$0xD800]  }
0x12b: {  	v1 =	vadd.f32 v1, v2  }
0x12c: {  	v2 =	vld [tilespmem:s22+$0xD810]  }
0x12d: {  	v0 =	vadd.f32 v0, v1  }
0x12e: {  	v1 =	vld [tilespmem:s22+$0xD820]  }
0x12f: {  	v0 =	vadd.f32 v3, v0  }
0x130: {  	v3 =	vld [tilespmem:s22+$0xD830]  }
0x131: {  	v0 =	vadd.f32 v2, v0  }
0x132: {  	v2 =	vld [tilespmem:s22+$0xD840]  }
0x133: {  	v0 =	vadd.f32 v1, v0  }
0x134: {  	v1 =	vld [tilespmem:s22+$0xD850]  }
0x135: {  	v0 =	vadd.f32 v3, v0  }
0x136: {  	v3 =	vld [tilespmem:s22+$0xD860]  }
0x137: {  	v4 =	vld [tilespmem:s22+$0xD870];
	_ =	swait.ge [sflag:s9], $0x1980;
	v0 =	vadd.f32 v2, v0  }
0x138: {  	[sflag:s9] =	ssyncset.done $0x0  }
0x139: {  	s31 =	simm.s32 $0x0;
	[sflag:s9] =	ssyncadd.s32 $0xFFFFE680;
	v0 =	vadd.f32 v1, v0  }
0x13a: {  	v1 =	vld [tilespmem:s31+$0xF100]  }
0x13b: {  	v0 =	vadd.f32 v3, v0  }
0x13c: {  	v2 =	vld [tilespmem:s31+$0xF110]  }
0x13d: {  	v0 =	vadd.f32 v4, v0  }
0x13e: {  	v3 =	vld [tilespmem:s31+$0xF120]  }
0x13f: {  	v0 =	vadd.f32 v1, v0  }
0x140: {  	v1 =	vld [tilespmem:s31+$0xF130]  }
0x141: {  	v0 =	vadd.f32 v2, v0  }
0x142: {  	v2 =	vld [tilespmem:s31+$0xF140]  }
0x143: {  	v0 =	vadd.f32 v3, v0  }
0x144: {  	v3 =	vld [tilespmem:s31+$0xF150]  }
0x145: {  	v0 =	vadd.f32 v1, v0  }
0x146: {  	v1 =	vld [tilespmem:s31+$0xF160]  }
0x147: {  	v2 =	vadd.f32 v2, v0  }
0x148: {  	v0 =	vld [tilespmem:s31+$0xF170]  }
0x149: {  	s23 =	simm.s32 $0x400;
	s22 =	simm.s32 $0x80;
	v2 =	vadd.f32 v3, v2  }
.LBB2_12:
0x14a: {  	p1 =	sne.s32 s23, $0x6400;
	v3 =	vld [tilespmem:s22+$0xF100]  }
0x14b: {  	v1 =	vadd.f32 v1, v2  }
0x14c: {  	v2 =	vld [tilespmem:s22+$0xF110]  }
0x14d: {  	v0 =	vadd.f32 v0, v1  }
0x14e: {  	v1 =	vld [tilespmem:s22+$0xF120]  }
0x14f: {  	v0 =	vadd.f32 v3, v0  }
0x150: {  	v3 =	vld [tilespmem:s22+$0xF130]  }
0x151: {  	v0 =	vadd.f32 v2, v0  }
0x152: {  	v2 =	vld [tilespmem:s22+$0xF140]  }
0x153: {  	v0 =	vadd.f32 v1, v0  }
0x154: {  	v4 =	vld [tilespmem:s22+$0xF150]  }
.Ltmp7:
0x155: {  	v0 =	vadd.f32 v3, v0;
	(pc) =	sbr.rel @p1 .LBB2_12-.Ltmp7, $4  }
0x156: {  	v1 =	vld [tilespmem:s22+$0xF160]  }
0x157: {  	v2 =	vadd.f32 v2, v0  }
0x158: {  	v0 =	vld [tilespmem:s22+$0xF170]  }
0x159: {  	s22 =	sshra.s32 s23, $0x2;
	s23 =	sadd.s32 $0x200, s23;
	v2 =	vadd.f32 v4, v2  }
0x15a: {  	v3 =	vld [tilespmem:s22+$0xF100]  }
0x15b: {  	v1 =	vadd.f32 v1, v2  }
0x15c: {  	v2 =	vld [tilespmem:s22+$0xF110]  }
0x15d: {  	v0 =	vadd.f32 v0, v1  }
0x15e: {  	v1 =	vld [tilespmem:s22+$0xF120]  }
0x15f: {  	v0 =	vadd.f32 v3, v0  }
0x160: {  	v3 =	vld [tilespmem:s22+$0xF130]  }
0x161: {  	v0 =	vadd.f32 v2, v0  }
0x162: {  	v2 =	vld [tilespmem:s22+$0xF140]  }
0x163: {  	v0 =	vadd.f32 v1, v0  }
0x164: {  	v1 =	vld [tilespmem:s22+$0xF150]  }
0x165: {  	v0 =	vadd.f32 v3, v0  }
0x166: {  	v3 =	vld [tilespmem:s22+$0xF160]  }
0x167: {  	v0 =	vadd.f32 v2, v0  }
0x168: {  	v2 =	vld [tilespmem:s22+$0xF170]  }
0x169: {  	v0 =	vadd.f32 v1, v0;
	_ =	sdelay $0x1  }
.Ltmp8:
0x16a: {  	v0 =	vadd.f32 v3, v0;
	(pc) =	sbr.rel @p0 .LBB2_17-.Ltmp8, $3  }
0x16b: {  	_ = 	snop  }
0x16c: {  	v0 =	vadd.f32 v2, v0;
	_ =	sdelay $0x1  }
0x16d: {  	[tilespmem:$0x12000] =	vst v0  }
0x16e: {  	_ =	swait.ge [sflag:s9], $0x1580  }
0x16f: {  	[sflag:s9] =	ssyncset.done $0x0  }
0x170: {  	s22 =	simm.s32 $0x0;
	[sflag:s9] =	ssyncadd.s32 $0xFFFFEA80  }
0x171: {  	v1 =	vld [tilespmem:s22+$0x10A80];
	_ =	sdelay $0x1  }
0x172: {  	v2 =	vld [tilespmem:s22+$0x10A90];
	_ =	sdelay $0x1  }
0x173: {  	v3 =	vimm.f32 $0.0e+00;
	v4 =	vld [tilespmem:s22+$0x10AA0]  }
0x174: {  	v1 =	vadd.f32 v1, v3  }
0x175: {  	v3 =	vld [tilespmem:s22+$0x10AB0]  }
0x176: {  	v1 =	vadd.f32 v2, v1  }
0x177: {  	v2 =	vld [tilespmem:s22+$0x10AC0]  }
0x178: {  	v1 =	vadd.f32 v4, v1;
	_ =	sdelay $0x1  }
0x179: {  	v4 =	vld [tilespmem:s22+$0x10AD0];
	v1 =	vadd.f32 v3, v1;
	_ =	sdelay $0x1  }
0x17a: {  	v3 =	vadd.f32 v2, v1;
	v2 =	vld [tilespmem:s22+$0x10AE0];
	_ =	sdelay $0x1  }
0x17b: {  	v1 =	vld [tilespmem:s22+$0x10AF0]  }
0x17c: {  	s23 =	simm.s32 $0x400;
	s22 =	simm.s32 $0x80;
	v3 =	vadd.f32 v4, v3  }
.LBB2_15:
0x17d: {  	p1 =	sne.s32 s23, $0x5400;
	v4 =	vld [tilespmem:s22+$0x10A80]  }
0x17e: {  	v2 =	vadd.f32 v2, v3  }
0x17f: {  	v3 =	vld [tilespmem:s22+$0x10A90]  }
0x180: {  	v1 =	vadd.f32 v1, v2  }
0x181: {  	v2 =	vld [tilespmem:s22+$0x10AA0]  }
0x182: {  	v1 =	vadd.f32 v4, v1  }
0x183: {  	v4 =	vld [tilespmem:s22+$0x10AB0]  }
0x184: {  	v1 =	vadd.f32 v3, v1  }
0x185: {  	v3 =	vld [tilespmem:s22+$0x10AC0]  }
0x186: {  	v1 =	vadd.f32 v2, v1  }
0x187: {  	v5 =	vld [tilespmem:s22+$0x10AD0]  }
.Ltmp9:
0x188: {  	v1 =	vadd.f32 v4, v1;
	(pc) =	sbr.rel @p1 .LBB2_15-.Ltmp9, $4  }
0x189: {  	v2 =	vld [tilespmem:s22+$0x10AE0]  }
0x18a: {  	v3 =	vadd.f32 v3, v1  }
0x18b: {  	v1 =	vld [tilespmem:s22+$0x10AF0]  }
0x18c: {  	s22 =	sshra.s32 s23, $0x2;
	s23 =	sadd.s32 $0x200, s23;
	v3 =	vadd.f32 v5, v3  }
.Ltmp10:
0x18d: {  	_ = 	snop;
	(pc) =	sbr.rel .LBB2_16-.Ltmp10, $1  }
0x18e: {  	_ =	sdelay $0x3  }
.LBB2_18:
0x18f: {  	_ =	sfence.sel $0x180000  }
0x190: {  	[bflag:$0x0] =	sbarrier.arrive $0xFFFF  }
0x191: {  	p0 =	sne.s32 s0, $0x0;
	_ =	strace $0x90000047  }
0x192: {  	s0 =	sadd.s32 @!p0 $0x100000, s1;
	[bflag:$0x2] =	sbarrier.arrive $0xFFFF  }
0x193: {  	[sflag:s0] =	ssyncadd.tile.s32 @!p0 $0x1;
	_ =	shalt  }
.Lfunc_end2:
_tile_overlayer_lowered:
.L_overlay_start_2:
0x194: {  	(tag) =	ssettag $0x2  }
0x195: {  	s0 =	rddreg [dreg:$0x0];
	s2 =	stileid.u32  }
0x196: {  	s1 =	rddreg [dreg:$0x1];
	p0 =	sne.s32 s2, $0x0  }
0x197: {  	s3 =	rddreg [dreg:$0x2];
	[bflag:$0x3] =	sbarrier.arrive $0xFFFF;
	s2 =	simm.s32 @!p0 $0x1C02  }
0x198: {  	[timem:s3], [sflag:s2] =	dma.local @!p0 [hbm:s0], s1  }
0x199: {  	s0 =	simm.s32 @!p0 $0x2  }
0x19a: {  	_ =	swait.ge @!p0 [sflag:s0], s1  }
0x19b: {  	s1 =	ssub.s32 @!p0 $0x0, s1;
	[sflag:s0] =	ssyncset.done @!p0 $0x0  }
0x19c: {  	[sflag:s0] =	ssyncadd.s32 @!p0 s1  }
0x19d: {  	[bflag:$0x3] =	sbarrier.arrive $0xFFFF  }
0x19e: {  	_ =	shalt  }

</sc_bundles>
